<compile_context>
chip_gen: v7x
topology: tpu7x:2x2x1
jax: 0.10.2.dev20260603
libtpu: 0.0.44.dev20260713+nightly
codegen_flags: <defaults>
</compile_context>

<pallas_src>
import functools

import jax
import jax.numpy as jnp
from jax import lax
from jax.experimental import pallas as pl
from jax.experimental.pallas import tpu as pltpu
from jax.experimental.pallas import tpu_sc as plsc

NC = 2
NS = 16
L = 16

CH = 4096


@functools.partial(jax.jit, static_argnums=(3, 4, 5))
def _sc_scatter(x_t, idx_t, src_t, m, d, b):
  nw = NC * NS
  cols_per_w = d // nw
  nchunk = b // CH

  mesh = plsc.VectorSubcoreMesh(
      core_axis_name="c", subcore_axis_name="s", num_cores=NC,
      num_subcores=NS)

  def body(x_ref, idx_ref, src_ref, out_ref, colbuf, ivb0, ivb1, svb0, svb1,
           csem, osem, isem0, isem1):
    w = lax.axis_index("s") * NC + lax.axis_index("c")
    ivb = [ivb0, ivb1]
    svb = [svb0, svb1]
    isem = [isem0, isem1]

    for lc in range(cols_per_w):
      col = w * cols_per_w + lc

      cdesc = pltpu.async_copy(x_ref.at[col], colbuf, csem)
      pltpu.async_copy(idx_ref.at[col, pl.ds(0, CH)], ivb[0], isem[0])
      pltpu.async_copy(src_ref.at[col, pl.ds(0, CH)], svb[0], isem[0])
      cdesc.wait()

      for h in range(nchunk):
        nxt = h + 1
        if nxt < nchunk:
          pltpu.async_copy(
              idx_ref.at[col, pl.ds(nxt * CH, CH)], ivb[nxt % 2],
              isem[nxt % 2])
          pltpu.async_copy(
              src_ref.at[col, pl.ds(nxt * CH, CH)], svb[nxt % 2],
              isem[nxt % 2])
        pltpu.make_async_copy(
            idx_ref.at[col, pl.ds(h * CH, CH)], ivb[h % 2], isem[h % 2]
        ).wait()
        pltpu.make_async_copy(
            src_ref.at[col, pl.ds(h * CH, CH)], svb[h % 2], isem[h % 2]
        ).wait()

        def v1(k, _, h=h):
          iv = ivb[h % 2][pl.ds(k * L, L)]
          sv = svb[h % 2][pl.ds(k * L, L)]
          plsc.store_scatter(colbuf, [iv], sv)
          return 0
        lax.fori_loop(0, CH // L, v1, 0)

      odesc = pltpu.async_copy(colbuf, out_ref.at[col], osem)
      odesc.wait()

  fn = pl.kernel(
      body,
      out_type=jax.ShapeDtypeStruct((d, m), jnp.float32),
      mesh=mesh,
      compiler_params=pltpu.CompilerParams(needs_layout_passes=False),
      scratch_types=[
          pltpu.VMEM((m,), jnp.float32),
          pltpu.VMEM((CH,), jnp.int32),
          pltpu.VMEM((CH,), jnp.int32),
          pltpu.VMEM((CH,), jnp.float32),
          pltpu.VMEM((CH,), jnp.float32),
          pltpu.SemaphoreType.DMA,
          pltpu.SemaphoreType.DMA,
          pltpu.SemaphoreType.DMA,
          pltpu.SemaphoreType.DMA,
      ],
      name="scatter_overwrite_sc",
  )
  return fn(x_t, idx_t, src_t)


def kernel(x, dim, index, src):
  m, d = x.shape
  b = src.shape[0]
  rows = (index + dim).astype(jnp.int32)
  out_t = _sc_scatter(x.T, rows.T, src.T, m, d, b)
  return out_t.T

# --- scband reference (transcript-rebuilt; emitter-appended) ---
"""Pipeline reference for scband-model-51453708206386 (READ-ONLY COPY).

The authoritative reference and input builder live on the scoring server;
editing this copy changes nothing except your own understanding.
"""

import jax, jax.numpy as jnp
import numpy as np


def setup_inputs(seed: int = 0) -> dict:
    key = jax.random.key(seed)
    k1, k2, k3 = jax.random.split(key, 3)
    M, d, B = 100000, 128, 16384
    x = jax.random.normal(k1, (M, d), dtype=jnp.float32)
    index = jax.random.randint(k2, (B, d), 0, M, dtype=jnp.int64)
    src = jax.random.normal(k3, (B, d), dtype=jnp.float32)
    return {"x": x, "dim": 0, "index": index, "src": src}


def reference(x, dim, index, src):
    # torch scatter_ with dim=0 and no reduce: x[index[i, j], j] = src[i, j]
    # (overwrite semantics; duplicate-index write order is unspecified in both
    # frameworks, matching torch's nondeterministic scatter_).
    rows = index + dim
    cols = jnp.broadcast_to(jnp.arange(src.shape[1]), src.shape)
    out = x.at[rows, cols].set(src)
    return out

if __name__ == "__main__":
    import jax
    _d = setup_inputs()
    print(jax.jit(kernel)(*tuple(_d.values())))

</pallas_src>

<mosaic_0001>
#map = affine_map<(d0, d1) -> (0, 0)>
module attributes {stable_mosaic.version = 14 : i64} {
  func.func @scatter_overwrite_sc(%arg0: i32, %arg1: i32, %arg2: memref<128x100000xf32, #tpu.memory_space<hbm>>, %arg3: memref<128x16384xi32, #tpu.memory_space<hbm>>, %arg4: memref<128x16384xf32, #tpu.memory_space<hbm>>, %arg5: memref<128x100000xf32, #tpu.memory_space<hbm>>, %arg6: memref<100000xf32, #tpu.memory_space<vmem>>, %arg7: memref<4096xi32, #tpu.memory_space<vmem>>, %arg8: memref<4096xi32, #tpu.memory_space<vmem>>, %arg9: memref<4096xf32, #tpu.memory_space<vmem>>, %arg10: memref<4096xf32, #tpu.memory_space<vmem>>, %arg11: memref<!tpu.dma_semaphore, #tpu.memory_space<semaphore_mem>>, %arg12: memref<!tpu.dma_semaphore, #tpu.memory_space<semaphore_mem>>, %arg13: memref<!tpu.dma_semaphore, #tpu.memory_space<semaphore_mem>>, %arg14: memref<!tpu.dma_semaphore, #tpu.memory_space<semaphore_mem>>) attributes {dimension_semantics = [#tpu.dimension_semantics<core_parallel>, #tpu.dimension_semantics<subcore_parallel>], iteration_bounds = array<i64: 2, 16>, scalar_prefetch = 0 : i64, scratch_operands = 9 : i64, tpu.core_type = #tpu.core_type<sc_vector_subcore>, window_params = [{transform_indices = #map}, {transform_indices = #map}, {transform_indices = #map}, {transform_indices = #map}]} {
    %mul3A = arith.constant 2 : i32
    %mul3A_0 = arith.muli %arg1, %mul3A : i32
    %add3A = arith.addi %mul3A_0, %arg0 : i32
    %mul3A_1 = arith.constant 4 : i32
    %mul3A_2 = arith.muli %add3A, %mul3A_1 : i32
    %add3A_3 = arith.constant 0 : i32
    %add3A_4 = arith.addi %mul3A_2, %add3A_3 : i32
    %dma_start3A = arith.constant 0 : i32
    %dma_start3A_5 = tpu.memref_slice %arg2[%add3A_4, %dma_start3A] : memref<128x100000xf32, #tpu.memory_space<hbm>> -> memref<1x100000xf32, #tpu.memory_space<hbm>>
    %dma_start3A_6 = tpu.memref_squeeze %dma_start3A_5 : memref<1x100000xf32, #tpu.memory_space<hbm>> -> memref<100000xf32, #tpu.memory_space<hbm>>
    %dma_start3A_7 = arith.constant 0 : i32
    %dma_start3A_8 = tpu.memref_slice %arg2[%add3A_4, %dma_start3A_7] : memref<128x100000xf32, #tpu.memory_space<hbm>> -> memref<1x100000xf32, #tpu.memory_space<hbm>>
    %dma_start3A_9 = tpu.memref_squeeze %dma_start3A_8 : memref<1x100000xf32, #tpu.memory_space<hbm>> -> memref<100000xf32, #tpu.memory_space<hbm>>
    tpu.enqueue_dma source(%dma_start3A_9 : memref<100000xf32, #tpu.memory_space<hbm>>) target(%arg6 : memref<100000xf32, #tpu.memory_space<vmem>>) target_semaphore(%arg11 : memref<!tpu.dma_semaphore, #tpu.memory_space<semaphore_mem>>)
    %dma_start3A_10 = arith.constant 0 : i32
    %dma_start3A_11 = tpu.memref_slice %arg3[%add3A_4, %dma_start3A_10] : memref<128x16384xi32, #tpu.memory_space<hbm>> -> memref<1x4096xi32, #tpu.memory_space<hbm>>
    %dma_start3A_12 = tpu.memref_squeeze %dma_start3A_11 : memref<1x4096xi32, #tpu.memory_space<hbm>> -> memref<4096xi32, #tpu.memory_space<hbm>>
    %dma_start3A_13 = arith.constant 0 : i32
    %dma_start3A_14 = tpu.memref_slice %arg3[%add3A_4, %dma_start3A_13] : memref<128x16384xi32, #tpu.memory_space<hbm>> -> memref<1x4096xi32, #tpu.memory_space<hbm>>
    %dma_start3A_15 = tpu.memref_squeeze %dma_start3A_14 : memref<1x4096xi32, #tpu.memory_space<hbm>> -> memref<4096xi32, #tpu.memory_space<hbm>>
    tpu.enqueue_dma source(%dma_start3A_15 : memref<4096xi32, #tpu.memory_space<hbm>>) target(%arg7 : memref<4096xi32, #tpu.memory_space<vmem>>) target_semaphore(%arg13 : memref<!tpu.dma_semaphore, #tpu.memory_space<semaphore_mem>>)
    %dma_start3A_16 = arith.constant 0 : i32
    %dma_start3A_17 = tpu.memref_slice %arg4[%add3A_4, %dma_start3A_16] : memref<128x16384xf32, #tpu.memory_space<hbm>> -> memref<1x4096xf32, #tpu.memory_space<hbm>>
    %dma_start3A_18 = tpu.memref_squeeze %dma_start3A_17 : memref<1x4096xf32, #tpu.memory_space<hbm>> -> memref<4096xf32, #tpu.memory_space<hbm>>
    %dma_start3A_19 = arith.constant 0 : i32
    %dma_start3A_20 = tpu.memref_slice %arg4[%add3A_4, %dma_start3A_19] : memref<128x16384xf32, #tpu.memory_space<hbm>> -> memref<1x4096xf32, #tpu.memory_space<hbm>>
    %dma_start3A_21 = tpu.memref_squeeze %dma_start3A_20 : memref<1x4096xf32, #tpu.memory_space<hbm>> -> memref<4096xf32, #tpu.memory_space<hbm>>
    tpu.enqueue_dma source(%dma_start3A_21 : memref<4096xf32, #tpu.memory_space<hbm>>) target(%arg9 : memref<4096xf32, #tpu.memory_space<vmem>>) target_semaphore(%arg13 : memref<!tpu.dma_semaphore, #tpu.memory_space<semaphore_mem>>)
    %dma_wait3A = arith.constant 0 : i32
    %dma_wait3A_22 = tpu.memref_slice %arg2[%add3A_4, %dma_wait3A] : memref<128x100000xf32, #tpu.memory_space<hbm>> -> memref<1x100000xf32, #tpu.memory_space<hbm>>
    %dma_wait3A_23 = tpu.memref_squeeze %dma_wait3A_22 : memref<1x100000xf32, #tpu.memory_space<hbm>> -> memref<100000xf32, #tpu.memory_space<hbm>>
    %dma_wait3A_24 = arith.constant 0 : i32
    %dma_wait3A_25 = tpu.memref_slice %arg2[%add3A_4, %dma_wait3A_24] : memref<128x100000xf32, #tpu.memory_space<hbm>> -> memref<1x100000xf32, #tpu.memory_space<hbm>>
    %dma_wait3A_26 = tpu.memref_squeeze %dma_wait3A_25 : memref<1x100000xf32, #tpu.memory_space<hbm>> -> memref<100000xf32, #tpu.memory_space<hbm>>
    tpu.wait_dma2 semaphore(%arg11 : memref<!tpu.dma_semaphore, #tpu.memory_space<semaphore_mem>>) src(%dma_wait3A_26 : memref<100000xf32, #tpu.memory_space<hbm>>) dst(%arg6 : memref<100000xf32, #tpu.memory_space<vmem>>)
    %dma_start3A_27 = arith.constant 4096 : i32
    %dma_start3A_28 = tpu.memref_slice %arg3[%add3A_4, %dma_start3A_27] : memref<128x16384xi32, #tpu.memory_space<hbm>> -> memref<1x4096xi32, #tpu.memory_space<hbm>>
    %dma_start3A_29 = tpu.memref_squeeze %dma_start3A_28 : memref<1x4096xi32, #tpu.memory_space<hbm>> -> memref<4096xi32, #tpu.memory_space<hbm>>
    %dma_start3A_30 = arith.constant 4096 : i32
    %dma_start3A_31 = tpu.memref_slice %arg3[%add3A_4, %dma_start3A_30] : memref<128x16384xi32, #tpu.memory_space<hbm>> -> memref<1x4096xi32, #tpu.memory_space<hbm>>
    %dma_start3A_32 = tpu.memref_squeeze %dma_start3A_31 : memref<1x4096xi32, #tpu.memory_space<hbm>> -> memref<4096xi32, #tpu.memory_space<hbm>>
    tpu.enqueue_dma source(%dma_start3A_32 : memref<4096xi32, #tpu.memory_space<hbm>>) target(%arg8 : memref<4096xi32, #tpu.memory_space<vmem>>) target_semaphore(%arg14 : memref<!tpu.dma_semaphore, #tpu.memory_space<semaphore_mem>>)
    %dma_start3A_33 = arith.constant 4096 : i32
    %dma_start3A_34 = tpu.memref_slice %arg4[%add3A_4, %dma_start3A_33] : memref<128x16384xf32, #tpu.memory_space<hbm>> -> memref<1x4096xf32, #tpu.memory_space<hbm>>
    %dma_start3A_35 = tpu.memref_squeeze %dma_start3A_34 : memref<1x4096xf32, #tpu.memory_space<hbm>> -> memref<4096xf32, #tpu.memory_space<hbm>>
    %dma_start3A_36 = arith.constant 4096 : i32
    %dma_start3A_37 = tpu.memref_slice %arg4[%add3A_4, %dma_start3A_36] : memref<128x16384xf32, #tpu.memory_space<hbm>> -> memref<1x4096xf32, #tpu.memory_space<hbm>>
    %dma_start3A_38 = tpu.memref_squeeze %dma_start3A_37 : memref<1x4096xf32, #tpu.memory_space<hbm>> -> memref<4096xf32, #tpu.memory_space<hbm>>
    tpu.enqueue_dma source(%dma_start3A_38 : memref<4096xf32, #tpu.memory_space<hbm>>) target(%arg10 : memref<4096xf32, #tpu.memory_space<vmem>>) target_semaphore(%arg14 : memref<!tpu.dma_semaphore, #tpu.memory_space<semaphore_mem>>)
    %dma_wait3A_39 = arith.constant 0 : i32
    %dma_wait3A_40 = tpu.memref_slice %arg3[%add3A_4, %dma_wait3A_39] : memref<128x16384xi32, #tpu.memory_space<hbm>> -> memref<1x4096xi32, #tpu.memory_space<hbm>>
    %dma_wait3A_41 = tpu.memref_squeeze %dma_wait3A_40 : memref<1x4096xi32, #tpu.memory_space<hbm>> -> memref<4096xi32, #tpu.memory_space<hbm>>
    %dma_wait3A_42 = arith.constant 0 : i32
    %dma_wait3A_43 = tpu.memref_slice %arg3[%add3A_4, %dma_wait3A_42] : memref<128x16384xi32, #tpu.memory_space<hbm>> -> memref<1x4096xi32, #tpu.memory_space<hbm>>
    %dma_wait3A_44 = tpu.memref_squeeze %dma_wait3A_43 : memref<1x4096xi32, #tpu.memory_space<hbm>> -> memref<4096xi32, #tpu.memory_space<hbm>>
    tpu.wait_dma2 semaphore(%arg13 : memref<!tpu.dma_semaphore, #tpu.memory_space<semaphore_mem>>) src(%dma_wait3A_44 : memref<4096xi32, #tpu.memory_space<hbm>>) dst(%arg7 : memref<4096xi32, #tpu.memory_space<vmem>>)
    %dma_wait3A_45 = arith.constant 0 : i32
    %dma_wait3A_46 = tpu.memref_slice %arg4[%add3A_4, %dma_wait3A_45] : memref<128x16384xf32, #tpu.memory_space<hbm>> -> memref<1x4096xf32, #tpu.memory_space<hbm>>
    %dma_wait3A_47 = tpu.memref_squeeze %dma_wait3A_46 : memref<1x4096xf32, #tpu.memory_space<hbm>> -> memref<4096xf32, #tpu.memory_space<hbm>>
    %dma_wait3A_48 = arith.constant 0 : i32
    %dma_wait3A_49 = tpu.memref_slice %arg4[%add3A_4, %dma_wait3A_48] : memref<128x16384xf32, #tpu.memory_space<hbm>> -> memref<1x4096xf32, #tpu.memory_space<hbm>>
    %dma_wait3A_50 = tpu.memref_squeeze %dma_wait3A_49 : memref<1x4096xf32, #tpu.memory_space<hbm>> -> memref<4096xf32, #tpu.memory_space<hbm>>
    tpu.wait_dma2 semaphore(%arg13 : memref<!tpu.dma_semaphore, #tpu.memory_space<semaphore_mem>>) src(%dma_wait3A_50 : memref<4096xf32, #tpu.memory_space<hbm>>) dst(%arg9 : memref<4096xf32, #tpu.memory_space<vmem>>)
    %scan3A = arith.constant 0 : i32
    %scan3A_51 = arith.constant 0 : i32
    %scan3A_52 = arith.constant 256 : i32
    %scan3A_53 = arith.addi %scan3A_51, %scan3A_52 : i32
    %scan3A_54 = arith.constant 1 : i32
    %scan3A_55 = scf.for %scan3A_606 = %scan3A_51 to %scan3A_53 step %scan3A_54 iter_args(%scan3A_607 = %scan3A) -> (i32)  : i32 {
      %mul3A_608 = arith.constant 16 : i32
      %mul3A_609 = arith.muli %scan3A_606, %mul3A_608 : i32
      %get3A = arith.index_cast %mul3A_609 : i32 to index
      %get3A_610 = tpu.vector_load %arg7[%get3A] {strides = array<i32>} : memref<4096xi32, #tpu.memory_space<vmem>>, vector<16xi32>,
      %mul3A_611 = arith.constant 16 : i32
      %mul3A_612 = arith.muli %scan3A_606, %mul3A_611 : i32
      %get3A_613 = arith.index_cast %mul3A_612 : i32 to index
      %get3A_614 = tpu.vector_load %arg9[%get3A_613] {strides = array<i32>} : memref<4096xf32, #tpu.memory_space<vmem>>, vector<16xf32>,
      tpu.vector_store_idx %arg6[%get3A_610], %get3A_614 : memref<100000xf32, #tpu.memory_space<vmem>>[vector<16xi32>], vector<16xf32>,
      %scan3A_615 = arith.constant 0 : i32
      scf.yield %scan3A_615 : i32
    }
    %scan3A_56 = arith.constant 256 : i32
    %dma_start3A_57 = arith.constant 8192 : i32
    %dma_start3A_58 = tpu.memref_slice %arg3[%add3A_4, %dma_start3A_57] : memref<128x16384xi32, #tpu.memory_space<hbm>> -> memref<1x4096xi32, #tpu.memory_space<hbm>>
    %dma_start3A_59 = tpu.memref_squeeze %dma_start3A_58 : memref<1x4096xi32, #tpu.memory_space<hbm>> -> memref<4096xi32, #tpu.memory_space<hbm>>
    %dma_start3A_60 = arith.constant 8192 : i32
    %dma_start3A_61 = tpu.memref_slice %arg3[%add3A_4, %dma_start3A_60] : memref<128x16384xi32, #tpu.memory_space<hbm>> -> memref<1x4096xi32, #tpu.memory_space<hbm>>
    %dma_start3A_62 = tpu.memref_squeeze %dma_start3A_61 : memref<1x4096xi32, #tpu.memory_space<hbm>> -> memref<4096xi32, #tpu.memory_space<hbm>>
    tpu.enqueue_dma source(%dma_start3A_62 : memref<4096xi32, #tpu.memory_space<hbm>>) target(%arg7 : memref<4096xi32, #tpu.memory_space<vmem>>) target_semaphore(%arg13 : memref<!tpu.dma_semaphore, #tpu.memory_space<semaphore_mem>>)
    %dma_start3A_63 = arith.constant 8192 : i32
    %dma_start3A_64 = tpu.memref_slice %arg4[%add3A_4, %dma_start3A_63] : memref<128x16384xf32, #tpu.memory_space<hbm>> -> memref<1x4096xf32, #tpu.memory_space<hbm>>
    %dma_start3A_65 = tpu.memref_squeeze %dma_start3A_64 : memref<1x4096xf32, #tpu.memory_space<hbm>> -> memref<4096xf32, #tpu.memory_space<hbm>>
    %dma_start3A_66 = arith.constant 8192 : i32
    %dma_start3A_67 = tpu.memref_slice %arg4[%add3A_4, %dma_start3A_66] : memref<128x16384xf32, #tpu.memory_space<hbm>> -> memref<1x4096xf32, #tpu.memory_space<hbm>>
    %dma_start3A_68 = tpu.memref_squeeze %dma_start3A_67 : memref<1x4096xf32, #tpu.memory_space<hbm>> -> memref<4096xf32, #tpu.memory_space<hbm>>
    tpu.enqueue_dma source(%dma_start3A_68 : memref<4096xf32, #tpu.memory_space<hbm>>) target(%arg9 : memref<4096xf32, #tpu.memory_space<vmem>>) target_semaphore(%arg13 : memref<!tpu.dma_semaphore, #tpu.memory_space<semaphore_mem>>)
    %dma_wait3A_69 = arith.constant 4096 : i32
    %dma_wait3A_70 = tpu.memref_slice %arg3[%add3A_4, %dma_wait3A_69] : memref<128x16384xi32, #tpu.memory_space<hbm>> -> memref<1x4096xi32, #tpu.memory_space<hbm>>
    %dma_wait3A_71 = tpu.memref_squeeze %dma_wait3A_70 : memref<1x4096xi32, #tpu.memory_space<hbm>> -> memref<4096xi32, #tpu.memory_space<hbm>>
    %dma_wait3A_72 = arith.constant 4096 : i32
    %dma_wait3A_73 = tpu.memref_slice %arg3[%add3A_4, %dma_wait3A_72] : memref<128x16384xi32, #tpu.memory_space<hbm>> -> memref<1x4096xi32, #tpu.memory_space<hbm>>
    %dma_wait3A_74 = tpu.memref_squeeze %dma_wait3A_73 : memref<1x4096xi32, #tpu.memory_space<hbm>> -> memref<4096xi32, #tpu.memory_space<hbm>>
    tpu.wait_dma2 semaphore(%arg14 : memref<!tpu.dma_semaphore, #tpu.memory_space<semaphore_mem>>) src(%dma_wait3A_74 : memref<4096xi32, #tpu.memory_space<hbm>>) dst(%arg8 : memref<4096xi32, #tpu.memory_space<vmem>>)
    %dma_wait3A_75 = arith.constant 4096 : i32
    %dma_wait3A_76 = tpu.memref_slice %arg4[%add3A_4, %dma_wait3A_75] : memref<128x16384xf32, #tpu.memory_space<hbm>> -> memref<1x4096xf32, #tpu.memory_space<hbm>>
    %dma_wait3A_77 = tpu.memref_squeeze %dma_wait3A_76 : memref<1x4096xf32, #tpu.memory_space<hbm>> -> memref<4096xf32, #tpu.memory_space<hbm>>
    %dma_wait3A_78 = arith.constant 4096 : i32
    %dma_wait3A_79 = tpu.memref_slice %arg4[%add3A_4, %dma_wait3A_78] : memref<128x16384xf32, #tpu.memory_space<hbm>> -> memref<1x4096xf32, #tpu.memory_space<hbm>>
    %dma_wait3A_80 = tpu.memref_squeeze %dma_wait3A_79 : memref<1x4096xf32, #tpu.memory_space<hbm>> -> memref<4096xf32, #tpu.memory_space<hbm>>
    tpu.wait_dma2 semaphore(%arg14 : memref<!tpu.dma_semaphore, #tpu.memory_space<semaphore_mem>>) src(%dma_wait3A_80 : memref<4096xf32, #tpu.memory_space<hbm>>) dst(%arg10 : memref<4096xf32, #tpu.memory_space<vmem>>)
    %scan3A_81 = arith.constant 0 : i32
    %scan3A_82 = arith.constant 0 : i32
    %scan3A_83 = arith.constant 256 : i32
    %scan3A_84 = arith.addi %scan3A_82, %scan3A_83 : i32
    %scan3A_85 = arith.constant 1 : i32
    %scan3A_86 = scf.for %scan3A_606 = %scan3A_82 to %scan3A_84 step %scan3A_85 iter_args(%scan3A_607 = %scan3A_81) -> (i32)  : i32 {
      %mul3A_608 = arith.constant 16 : i32
      %mul3A_609 = arith.muli %scan3A_606, %mul3A_608 : i32
      %get3A = arith.index_cast %mul3A_609 : i32 to index
      %get3A_610 = tpu.vector_load %arg8[%get3A] {strides = array<i32>} : memref<4096xi32, #tpu.memory_space<vmem>>, vector<16xi32>,
      %mul3A_611 = arith.constant 16 : i32
      %mul3A_612 = arith.muli %scan3A_606, %mul3A_611 : i32
      %get3A_613 = arith.index_cast %mul3A_612 : i32 to index
      %get3A_614 = tpu.vector_load %arg10[%get3A_613] {strides = array<i32>} : memref<4096xf32, #tpu.memory_space<vmem>>, vector<16xf32>,
      tpu.vector_store_idx %arg6[%get3A_610], %get3A_614 : memref<100000xf32, #tpu.memory_space<vmem>>[vector<16xi32>], vector<16xf32>,
      %scan3A_615 = arith.constant 0 : i32
      scf.yield %scan3A_615 : i32
    }
    %scan3A_87 = arith.constant 256 : i32
    %dma_start3A_88 = arith.constant 12288 : i32
    %dma_start3A_89 = tpu.memref_slice %arg3[%add3A_4, %dma_start3A_88] : memref<128x16384xi32, #tpu.memory_space<hbm>> -> memref<1x4096xi32, #tpu.memory_space<hbm>>
    %dma_start3A_90 = tpu.memref_squeeze %dma_start3A_89 : memref<1x4096xi32, #tpu.memory_space<hbm>> -> memref<4096xi32, #tpu.memory_space<hbm>>
    %dma_start3A_91 = arith.constant 12288 : i32
    %dma_start3A_92 = tpu.memref_slice %arg3[%add3A_4, %dma_start3A_91] : memref<128x16384xi32, #tpu.memory_space<hbm>> -> memref<1x4096xi32, #tpu.memory_space<hbm>>
    %dma_start3A_93 = tpu.memref_squeeze %dma_start3A_92 : memref<1x4096xi32, #tpu.memory_space<hbm>> -> memref<4096xi32, #tpu.memory_space<hbm>>
    tpu.enqueue_dma source(%dma_start3A_93 : memref<4096xi32, #tpu.memory_space<hbm>>) target(%arg8 : memref<4096xi32, #tpu.memory_space<vmem>>) target_semaphore(%arg14 : memref<!tpu.dma_semaphore, #tpu.memory_space<semaphore_mem>>)
    %dma_start3A_94 = arith.constant 12288 : i32
    %dma_start3A_95 = tpu.memref_slice %arg4[%add3A_4, %dma_start3A_94] : memref<128x16384xf32, #tpu.memory_space<hbm>> -> memref<1x4096xf32, #tpu.memory_space<hbm>>
    %dma_start3A_96 = tpu.memref_squeeze %dma_start3A_95 : memref<1x4096xf32, #tpu.memory_space<hbm>> -> memref<4096xf32, #tpu.memory_space<hbm>>
    %dma_start3A_97 = arith.constant 12288 : i32
    %dma_start3A_98 = tpu.memref_slice %arg4[%add3A_4, %dma_start3A_97] : memref<128x16384xf32, #tpu.memory_space<hbm>> -> memref<1x4096xf32, #tpu.memory_space<hbm>>
    %dma_start3A_99 = tpu.memref_squeeze %dma_start3A_98 : memref<1x4096xf32, #tpu.memory_space<hbm>> -> memref<4096xf32, #tpu.memory_space<hbm>>
    tpu.enqueue_dma source(%dma_start3A_99 : memref<4096xf32, #tpu.memory_space<hbm>>) target(%arg10 : memref<4096xf32, #tpu.memory_space<vmem>>) target_semaphore(%arg14 : memref<!tpu.dma_semaphore, #tpu.memory_space<semaphore_mem>>)
    %dma_wait3A_100 = arith.constant 8192 : i32
    %dma_wait3A_101 = tpu.memref_slice %arg3[%add3A_4, %dma_wait3A_100] : memref<128x16384xi32, #tpu.memory_space<hbm>> -> memref<1x4096xi32, #tpu.memory_space<hbm>>
    %dma_wait3A_102 = tpu.memref_squeeze %dma_wait3A_101 : memref<1x4096xi32, #tpu.memory_space<hbm>> -> memref<4096xi32, #tpu.memory_space<hbm>>
    %dma_wait3A_103 = arith.constant 8192 : i32
    %dma_wait3A_104 = tpu.memref_slice %arg3[%add3A_4, %dma_wait3A_103] : memref<128x16384xi32, #tpu.memory_space<hbm>> -> memref<1x4096xi32, #tpu.memory_space<hbm>>
    %dma_wait3A_105 = tpu.memref_squeeze %dma_wait3A_104 : memref<1x4096xi32, #tpu.memory_space<hbm>> -> memref<4096xi32, #tpu.memory_space<hbm>>
    tpu.wait_dma2 semaphore(%arg13 : memref<!tpu.dma_semaphore, #tpu.memory_space<semaphore_mem>>) src(%dma_wait3A_105 : memref<4096xi32, #tpu.memory_space<hbm>>) dst(%arg7 : memref<4096xi32, #tpu.memory_space<vmem>>)
    %dma_wait3A_106 = arith.constant 8192 : i32
    %dma_wait3A_107 = tpu.memref_slice %arg4[%add3A_4, %dma_wait3A_106] : memref<128x16384xf32, #tpu.memory_space<hbm>> -> memref<1x4096xf32, #tpu.memory_space<hbm>>
    %dma_wait3A_108 = tpu.memref_squeeze %dma_wait3A_107 : memref<1x4096xf32, #tpu.memory_space<hbm>> -> memref<4096xf32, #tpu.memory_space<hbm>>
    %dma_wait3A_109 = arith.constant 8192 : i32
    %dma_wait3A_110 = tpu.memref_slice %arg4[%add3A_4, %dma_wait3A_109] : memref<128x16384xf32, #tpu.memory_space<hbm>> -> memref<1x4096xf32, #tpu.memory_space<hbm>>
    %dma_wait3A_111 = tpu.memref_squeeze %dma_wait3A_110 : memref<1x4096xf32, #tpu.memory_space<hbm>> -> memref<4096xf32, #tpu.memory_space<hbm>>
    tpu.wait_dma2 semaphore(%arg13 : memref<!tpu.dma_semaphore, #tpu.memory_space<semaphore_mem>>) src(%dma_wait3A_111 : memref<4096xf32, #tpu.memory_space<hbm>>) dst(%arg9 : memref<4096xf32, #tpu.memory_space<vmem>>)
    %scan3A_112 = arith.constant 0 : i32
    %scan3A_113 = arith.constant 0 : i32
    %scan3A_114 = arith.constant 256 : i32
    %scan3A_115 = arith.addi %scan3A_113, %scan3A_114 : i32
    %scan3A_116 = arith.constant 1 : i32
    %scan3A_117 = scf.for %scan3A_606 = %scan3A_113 to %scan3A_115 step %scan3A_116 iter_args(%scan3A_607 = %scan3A_112) -> (i32)  : i32 {
      %mul3A_608 = arith.constant 16 : i32
      %mul3A_609 = arith.muli %scan3A_606, %mul3A_608 : i32
      %get3A = arith.index_cast %mul3A_609 : i32 to index
      %get3A_610 = tpu.vector_load %arg7[%get3A] {strides = array<i32>} : memref<4096xi32, #tpu.memory_space<vmem>>, vector<16xi32>,
      %mul3A_611 = arith.constant 16 : i32
      %mul3A_612 = arith.muli %scan3A_606, %mul3A_611 : i32
      %get3A_613 = arith.index_cast %mul3A_612 : i32 to index
      %get3A_614 = tpu.vector_load %arg9[%get3A_613] {strides = array<i32>} : memref<4096xf32, #tpu.memory_space<vmem>>, vector<16xf32>,
      tpu.vector_store_idx %arg6[%get3A_610], %get3A_614 : memref<100000xf32, #tpu.memory_space<vmem>>[vector<16xi32>], vector<16xf32>,
      %scan3A_615 = arith.constant 0 : i32
      scf.yield %scan3A_615 : i32
    }
    %scan3A_118 = arith.constant 256 : i32
    %dma_wait3A_119 = arith.constant 12288 : i32
    %dma_wait3A_120 = tpu.memref_slice %arg3[%add3A_4, %dma_wait3A_119] : memref<128x16384xi32, #tpu.memory_space<hbm>> -> memref<1x4096xi32, #tpu.memory_space<hbm>>
    %dma_wait3A_121 = tpu.memref_squeeze %dma_wait3A_120 : memref<1x4096xi32, #tpu.memory_space<hbm>> -> memref<4096xi32, #tpu.memory_space<hbm>>
    %dma_wait3A_122 = arith.constant 12288 : i32
    %dma_wait3A_123 = tpu.memref_slice %arg3[%add3A_4, %dma_wait3A_122] : memref<128x16384xi32, #tpu.memory_space<hbm>> -> memref<1x4096xi32, #tpu.memory_space<hbm>>
    %dma_wait3A_124 = tpu.memref_squeeze %dma_wait3A_123 : memref<1x4096xi32, #tpu.memory_space<hbm>> -> memref<4096xi32, #tpu.memory_space<hbm>>
    tpu.wait_dma2 semaphore(%arg14 : memref<!tpu.dma_semaphore, #tpu.memory_space<semaphore_mem>>) src(%dma_wait3A_124 : memref<4096xi32, #tpu.memory_space<hbm>>) dst(%arg8 : memref<4096xi32, #tpu.memory_space<vmem>>)
    %dma_wait3A_125 = arith.constant 12288 : i32
    %dma_wait3A_126 = tpu.memref_slice %arg4[%add3A_4, %dma_wait3A_125] : memref<128x16384xf32, #tpu.memory_space<hbm>> -> memref<1x4096xf32, #tpu.memory_space<hbm>>
    %dma_wait3A_127 = tpu.memref_squeeze %dma_wait3A_126 : memref<1x4096xf32, #tpu.memory_space<hbm>> -> memref<4096xf32, #tpu.memory_space<hbm>>
    %dma_wait3A_128 = arith.constant 12288 : i32
    %dma_wait3A_129 = tpu.memref_slice %arg4[%add3A_4, %dma_wait3A_128] : memref<128x16384xf32, #tpu.memory_space<hbm>> -> memref<1x4096xf32, #tpu.memory_space<hbm>>
    %dma_wait3A_130 = tpu.memref_squeeze %dma_wait3A_129 : memref<1x4096xf32, #tpu.memory_space<hbm>> -> memref<4096xf32, #tpu.memory_space<hbm>>
    tpu.wait_dma2 semaphore(%arg14 : memref<!tpu.dma_semaphore, #tpu.memory_space<semaphore_mem>>) src(%dma_wait3A_130 : memref<4096xf32, #tpu.memory_space<hbm>>) dst(%arg10 : memref<4096xf32, #tpu.memory_space<vmem>>)
    %scan3A_131 = arith.constant 0 : i32
    %scan3A_132 = arith.constant 0 : i32
    %scan3A_133 = arith.constant 256 : i32
    %scan3A_134 = arith.addi %scan3A_132, %scan3A_133 : i32
    %scan3A_135 = arith.constant 1 : i32
    %scan3A_136 = scf.for %scan3A_606 = %scan3A_132 to %scan3A_134 step %scan3A_135 iter_args(%scan3A_607 = %scan3A_131) -> (i32)  : i32 {
      %mul3A_608 = arith.constant 16 : i32
      %mul3A_609 = arith.muli %scan3A_606, %mul3A_608 : i32
      %get3A = arith.index_cast %mul3A_609 : i32 to index
      %get3A_610 = tpu.vector_load %arg8[%get3A] {strides = array<i32>} : memref<4096xi32, #tpu.memory_space<vmem>>, vector<16xi32>,
      %mul3A_611 = arith.constant 16 : i32
      %mul3A_612 = arith.muli %scan3A_606, %mul3A_611 : i32
      %get3A_613 = arith.index_cast %mul3A_612 : i32 to index
      %get3A_614 = tpu.vector_load %arg10[%get3A_613] {strides = array<i32>} : memref<4096xf32, #tpu.memory_space<vmem>>, vector<16xf32>,
      tpu.vector_store_idx %arg6[%get3A_610], %get3A_614 : memref<100000xf32, #tpu.memory_space<vmem>>[vector<16xi32>], vector<16xf32>,
      %scan3A_615 = arith.constant 0 : i32
      scf.yield %scan3A_615 : i32
    }
    %scan3A_137 = arith.constant 256 : i32
    %dma_start3A_138 = arith.constant 0 : i32
    %dma_start3A_139 = tpu.memref_slice %arg5[%add3A_4, %dma_start3A_138] : memref<128x100000xf32, #tpu.memory_space<hbm>> -> memref<1x100000xf32, #tpu.memory_space<hbm>>
    %dma_start3A_140 = tpu.memref_squeeze %dma_start3A_139 : memref<1x100000xf32, #tpu.memory_space<hbm>> -> memref<100000xf32, #tpu.memory_space<hbm>>
    %dma_start3A_141 = arith.constant 0 : i32
    %dma_start3A_142 = tpu.memref_slice %arg5[%add3A_4, %dma_start3A_141] : memref<128x100000xf32, #tpu.memory_space<hbm>> -> memref<1x100000xf32, #tpu.memory_space<hbm>>
    %dma_start3A_143 = tpu.memref_squeeze %dma_start3A_142 : memref<1x100000xf32, #tpu.memory_space<hbm>> -> memref<100000xf32, #tpu.memory_space<hbm>>
    tpu.enqueue_dma source(%arg6 : memref<100000xf32, #tpu.memory_space<vmem>>) target(%dma_start3A_143 : memref<100000xf32, #tpu.memory_space<hbm>>) target_semaphore(%arg12 : memref<!tpu.dma_semaphore, #tpu.memory_space<semaphore_mem>>)
    %dma_wait3A_144 = arith.constant 0 : i32
    %dma_wait3A_145 = tpu.memref_slice %arg5[%add3A_4, %dma_wait3A_144] : memref<128x100000xf32, #tpu.memory_space<hbm>> -> memref<1x100000xf32, #tpu.memory_space<hbm>>
    %dma_wait3A_146 = tpu.memref_squeeze %dma_wait3A_145 : memref<1x100000xf32, #tpu.memory_space<hbm>> -> memref<100000xf32, #tpu.memory_space<hbm>>
    %dma_wait3A_147 = arith.constant 0 : i32
    %dma_wait3A_148 = tpu.memref_slice %arg5[%add3A_4, %dma_wait3A_147] : memref<128x100000xf32, #tpu.memory_space<hbm>> -> memref<1x100000xf32, #tpu.memory_space<hbm>>
    %dma_wait3A_149 = tpu.memref_squeeze %dma_wait3A_148 : memref<1x100000xf32, #tpu.memory_space<hbm>> -> memref<100000xf32, #tpu.memory_space<hbm>>
    tpu.wait_dma2 semaphore(%arg12 : memref<!tpu.dma_semaphore, #tpu.memory_space<semaphore_mem>>) src(%arg6 : memref<100000xf32, #tpu.memory_space<vmem>>) dst(%dma_wait3A_149 : memref<100000xf32, #tpu.memory_space<hbm>>)
    %mul3A_150 = arith.constant 4 : i32
    %mul3A_151 = arith.muli %add3A, %mul3A_150 : i32
    %add3A_152 = arith.constant 1 : i32
    %add3A_153 = arith.addi %mul3A_151, %add3A_152 : i32
    %dma_start3A_154 = arith.constant 0 : i32
    %dma_start3A_155 = tpu.memref_slice %arg2[%add3A_153, %dma_start3A_154] : memref<128x100000xf32, #tpu.memory_space<hbm>> -> memref<1x100000xf32, #tpu.memory_space<hbm>>
    %dma_start3A_156 = tpu.memref_squeeze %dma_start3A_155 : memref<1x100000xf32, #tpu.memory_space<hbm>> -> memref<100000xf32, #tpu.memory_space<hbm>>
    %dma_start3A_157 = arith.constant 0 : i32
    %dma_start3A_158 = tpu.memref_slice %arg2[%add3A_153, %dma_start3A_157] : memref<128x100000xf32, #tpu.memory_space<hbm>> -> memref<1x100000xf32, #tpu.memory_space<hbm>>
    %dma_start3A_159 = tpu.memref_squeeze %dma_start3A_158 : memref<1x100000xf32, #tpu.memory_space<hbm>> -> memref<100000xf32, #tpu.memory_space<hbm>>
    tpu.enqueue_dma source(%dma_start3A_159 : memref<100000xf32, #tpu.memory_space<hbm>>) target(%arg6 : memref<100000xf32, #tpu.memory_space<vmem>>) target_semaphore(%arg11 : memref<!tpu.dma_semaphore, #tpu.memory_space<semaphore_mem>>)
    %dma_start3A_160 = arith.constant 0 : i32
    %dma_start3A_161 = tpu.memref_slice %arg3[%add3A_153, %dma_start3A_160] : memref<128x16384xi32, #tpu.memory_space<hbm>> -> memref<1x4096xi32, #tpu.memory_space<hbm>>
    %dma_start3A_162 = tpu.memref_squeeze %dma_start3A_161 : memref<1x4096xi32, #tpu.memory_space<hbm>> -> memref<4096xi32, #tpu.memory_space<hbm>>
    %dma_start3A_163 = arith.constant 0 : i32
    %dma_start3A_164 = tpu.memref_slice %arg3[%add3A_153, %dma_start3A_163] : memref<128x16384xi32, #tpu.memory_space<hbm>> -> memref<1x4096xi32, #tpu.memory_space<hbm>>
    %dma_start3A_165 = tpu.memref_squeeze %dma_start3A_164 : memref<1x4096xi32, #tpu.memory_space<hbm>> -> memref<4096xi32, #tpu.memory_space<hbm>>
    tpu.enqueue_dma source(%dma_start3A_165 : memref<4096xi32, #tpu.memory_space<hbm>>) target(%arg7 : memref<4096xi32, #tpu.memory_space<vmem>>) target_semaphore(%arg13 : memref<!tpu.dma_semaphore, #tpu.memory_space<semaphore_mem>>)
    %dma_start3A_166 = arith.constant 0 : i32
    %dma_start3A_167 = tpu.memref_slice %arg4[%add3A_153, %dma_start3A_166] : memref<128x16384xf32, #tpu.memory_space<hbm>> -> memref<1x4096xf32, #tpu.memory_space<hbm>>
    %dma_start3A_168 = tpu.memref_squeeze %dma_start3A_167 : memref<1x4096xf32, #tpu.memory_space<hbm>> -> memref<4096xf32, #tpu.memory_space<hbm>>
    %dma_start3A_169 = arith.constant 0 : i32
    %dma_start3A_170 = tpu.memref_slice %arg4[%add3A_153, %dma_start3A_169] : memref<128x16384xf32, #tpu.memory_space<hbm>> -> memref<1x4096xf32, #tpu.memory_space<hbm>>
    %dma_start3A_171 = tpu.memref_squeeze %dma_start3A_170 : memref<1x4096xf32, #tpu.memory_space<hbm>> -> memref<4096xf32, #tpu.memory_space<hbm>>
    tpu.enqueue_dma source(%dma_start3A_171 : memref<4096xf32, #tpu.memory_space<hbm>>) target(%arg9 : memref<4096xf32, #tpu.memory_space<vmem>>) target_semaphore(%arg13 : memref<!tpu.dma_semaphore, #tpu.memory_space<semaphore_mem>>)
    %dma_wait3A_172 = arith.constant 0 : i32
    %dma_wait3A_173 = tpu.memref_slice %arg2[%add3A_153, %dma_wait3A_172] : memref<128x100000xf32, #tpu.memory_space<hbm>> -> memref<1x100000xf32, #tpu.memory_space<hbm>>
    %dma_wait3A_174 = tpu.memref_squeeze %dma_wait3A_173 : memref<1x100000xf32, #tpu.memory_space<hbm>> -> memref<100000xf32, #tpu.memory_space<hbm>>
    %dma_wait3A_175 = arith.constant 0 : i32
    %dma_wait3A_176 = tpu.memref_slice %arg2[%add3A_153, %dma_wait3A_175] : memref<128x100000xf32, #tpu.memory_space<hbm>> -> memref<1x100000xf32, #tpu.memory_space<hbm>>
    %dma_wait3A_177 = tpu.memref_squeeze %dma_wait3A_176 : memref<1x100000xf32, #tpu.memory_space<hbm>> -> memref<100000xf32, #tpu.memory_space<hbm>>
    tpu.wait_dma2 semaphore(%arg11 : memref<!tpu.dma_semaphore, #tpu.memory_space<semaphore_mem>>) src(%dma_wait3A_177 : memref<100000xf32, #tpu.memory_space<hbm>>) dst(%arg6 : memref<100000xf32, #tpu.memory_space<vmem>>)
    %dma_start3A_178 = arith.constant 4096 : i32
    %dma_start3A_179 = tpu.memref_slice %arg3[%add3A_153, %dma_start3A_178] : memref<128x16384xi32, #tpu.memory_space<hbm>> -> memref<1x4096xi32, #tpu.memory_space<hbm>>
    %dma_start3A_180 = tpu.memref_squeeze %dma_start3A_179 : memref<1x4096xi32, #tpu.memory_space<hbm>> -> memref<4096xi32, #tpu.memory_space<hbm>>
    %dma_start3A_181 = arith.constant 4096 : i32
    %dma_start3A_182 = tpu.memref_slice %arg3[%add3A_153, %dma_start3A_181] : memref<128x16384xi32, #tpu.memory_space<hbm>> -> memref<1x4096xi32, #tpu.memory_space<hbm>>
    %dma_start3A_183 = tpu.memref_squeeze %dma_start3A_182 : memref<1x4096xi32, #tpu.memory_space<hbm>> -> memref<4096xi32, #tpu.memory_space<hbm>>
    tpu.enqueue_dma source(%dma_start3A_183 : memref<4096xi32, #tpu.memory_space<hbm>>) target(%arg8 : memref<4096xi32, #tpu.memory_space<vmem>>) target_semaphore(%arg14 : memref<!tpu.dma_semaphore, #tpu.memory_space<semaphore_mem>>)
    %dma_start3A_184 = arith.constant 4096 : i32
    %dma_start3A_185 = tpu.memref_slice %arg4[%add3A_153, %dma_start3A_184] : memref<128x16384xf32, #tpu.memory_space<hbm>> -> memref<1x4096xf32, #tpu.memory_space<hbm>>
    %dma_start3A_186 = tpu.memref_squeeze %dma_start3A_185 : memref<1x4096xf32, #tpu.memory_space<hbm>> -> memref<4096xf32, #tpu.memory_space<hbm>>
    %dma_start3A_187 = arith.constant 4096 : i32
    %dma_start3A_188 = tpu.memref_slice %arg4[%add3A_153, %dma_start3A_187] : memref<128x16384xf32, #tpu.memory_space<hbm>> -> memref<1x4096xf32, #tpu.memory_space<hbm>>
    %dma_start3A_189 = tpu.memref_squeeze %dma_start3A_188 : memref<1x4096xf32, #tpu.memory_space<hbm>> -> memref<4096xf32, #tpu.memory_space<hbm>>
    tpu.enqueue_dma source(%dma_start3A_189 : memref<4096xf32, #tpu.memory_space<hbm>>) target(%arg10 : memref<4096xf32, #tpu.memory_space<vmem>>) target_semaphore(%arg14 : memref<!tpu.dma_semaphore, #tpu.memory_space<semaphore_mem>>)
    %dma_wait3A_190 = arith.constant 0 : i32
    %dma_wait3A_191 = tpu.memref_slice %arg3[%add3A_153, %dma_wait3A_190] : memref<128x16384xi32, #tpu.memory_space<hbm>> -> memref<1x4096xi32, #tpu.memory_space<hbm>>
    %dma_wait3A_192 = tpu.memref_squeeze %dma_wait3A_191 : memref<1x4096xi32, #tpu.memory_space<hbm>> -> memref<4096xi32, #tpu.memory_space<hbm>>
    %dma_wait3A_193 = arith.constant 0 : i32
    %dma_wait3A_194 = tpu.memref_slice %arg3[%add3A_153, %dma_wait3A_193] : memref<128x16384xi32, #tpu.memory_space<hbm>> -> memref<1x4096xi32, #tpu.memory_space<hbm>>
    %dma_wait3A_195 = tpu.memref_squeeze %dma_wait3A_194 : memref<1x4096xi32, #tpu.memory_space<hbm>> -> memref<4096xi32, #tpu.memory_space<hbm>>
    tpu.wait_dma2 semaphore(%arg13 : memref<!tpu.dma_semaphore, #tpu.memory_space<semaphore_mem>>) src(%dma_wait3A_195 : memref<4096xi32, #tpu.memory_space<hbm>>) dst(%arg7 : memref<4096xi32, #tpu.memory_space<vmem>>)
    %dma_wait3A_196 = arith.constant 0 : i32
    %dma_wait3A_197 = tpu.memref_slice %arg4[%add3A_153, %dma_wait3A_196] : memref<128x16384xf32, #tpu.memory_space<hbm>> -> memref<1x4096xf32, #tpu.memory_space<hbm>>
    %dma_wait3A_198 = tpu.memref_squeeze %dma_wait3A_197 : memref<1x4096xf32, #tpu.memory_space<hbm>> -> memref<4096xf32, #tpu.memory_space<hbm>>
    %dma_wait3A_199 = arith.constant 0 : i32
    %dma_wait3A_200 = tpu.memref_slice %arg4[%add3A_153, %dma_wait3A_199] : memref<128x16384xf32, #tpu.memory_space<hbm>> -> memref<1x4096xf32, #tpu.memory_space<hbm>>
    %dma_wait3A_201 = tpu.memref_squeeze %dma_wait3A_200 : memref<1x4096xf32, #tpu.memory_space<hbm>> -> memref<4096xf32, #tpu.memory_space<hbm>>
    tpu.wait_dma2 semaphore(%arg13 : memref<!tpu.dma_semaphore, #tpu.memory_space<semaphore_mem>>) src(%dma_wait3A_201 : memref<4096xf32, #tpu.memory_space<hbm>>) dst(%arg9 : memref<4096xf32, #tpu.memory_space<vmem>>)
    %scan3A_202 = arith.constant 0 : i32
    %scan3A_203 = arith.constant 0 : i32
    %scan3A_204 = arith.constant 256 : i32
    %scan3A_205 = arith.addi %scan3A_203, %scan3A_204 : i32
    %scan3A_206 = arith.constant 1 : i32
    %scan3A_207 = scf.for %scan3A_606 = %scan3A_203 to %scan3A_205 step %scan3A_206 iter_args(%scan3A_607 = %scan3A_202) -> (i32)  : i32 {
      %mul3A_608 = arith.constant 16 : i32
      %mul3A_609 = arith.muli %scan3A_606, %mul3A_608 : i32
      %get3A = arith.index_cast %mul3A_609 : i32 to index
      %get3A_610 = tpu.vector_load %arg7[%get3A] {strides = array<i32>} : memref<4096xi32, #tpu.memory_space<vmem>>, vector<16xi32>,
      %mul3A_611 = arith.constant 16 : i32
      %mul3A_612 = arith.muli %scan3A_606, %mul3A_611 : i32
      %get3A_613 = arith.index_cast %mul3A_612 : i32 to index
      %get3A_614 = tpu.vector_load %arg9[%get3A_613] {strides = array<i32>} : memref<4096xf32, #tpu.memory_space<vmem>>, vector<16xf32>,
      tpu.vector_store_idx %arg6[%get3A_610], %get3A_614 : memref<100000xf32, #tpu.memory_space<vmem>>[vector<16xi32>], vector<16xf32>,
      %scan3A_615 = arith.constant 0 : i32
      scf.yield %scan3A_615 : i32
    }
    %scan3A_208 = arith.constant 256 : i32
    %dma_start3A_209 = arith.constant 8192 : i32
    %dma_start3A_210 = tpu.memref_slice %arg3[%add3A_153, %dma_start3A_209] : memref<128x16384xi32, #tpu.memory_space<hbm>> -> memref<1x4096xi32, #tpu.memory_space<hbm>>
    %dma_start3A_211 = tpu.memref_squeeze %dma_start3A_210 : memref<1x4096xi32, #tpu.memory_space<hbm>> -> memref<4096xi32, #tpu.memory_space<hbm>>
    %dma_start3A_212 = arith.constant 8192 : i32
    %dma_start3A_213 = tpu.memref_slice %arg3[%add3A_153, %dma_start3A_212] : memref<128x16384xi32, #tpu.memory_space<hbm>> -> memref<1x4096xi32, #tpu.memory_space<hbm>>
    %dma_start3A_214 = tpu.memref_squeeze %dma_start3A_213 : memref<1x4096xi32, #tpu.memory_space<hbm>> -> memref<4096xi32, #tpu.memory_space<hbm>>
    tpu.enqueue_dma source(%dma_start3A_214 : memref<4096xi32, #tpu.memory_space<hbm>>) target(%arg7 : memref<4096xi32, #tpu.memory_space<vmem>>) target_semaphore(%arg13 : memref<!tpu.dma_semaphore, #tpu.memory_space<semaphore_mem>>)
    %dma_start3A_215 = arith.constant 8192 : i32
    %dma_start3A_216 = tpu.memref_slice %arg4[%add3A_153, %dma_start3A_215] : memref<128x16384xf32, #tpu.memory_space<hbm>> -> memref<1x4096xf32, #tpu.memory_space<hbm>>
    %dma_start3A_217 = tpu.memref_squeeze %dma_start3A_216 : memref<1x4096xf32, #tpu.memory_space<hbm>> -> memref<4096xf32, #tpu.memory_space<hbm>>
    %dma_start3A_218 = arith.constant 8192 : i32
    %dma_start3A_219 = tpu.memref_slice %arg4[%add3A_153, %dma_start3A_218] : memref<128x16384xf32, #tpu.memory_space<hbm>> -> memref<1x4096xf32, #tpu.memory_space<hbm>>
    %dma_start3A_220 = tpu.memref_squeeze %dma_start3A_219 : memref<1x4096xf32, #tpu.memory_space<hbm>> -> memref<4096xf32, #tpu.memory_space<hbm>>
    tpu.enqueue_dma source(%dma_start3A_220 : memref<4096xf32, #tpu.memory_space<hbm>>) target(%arg9 : memref<4096xf32, #tpu.memory_space<vmem>>) target_semaphore(%arg13 : memref<!tpu.dma_semaphore, #tpu.memory_space<semaphore_mem>>)
    %dma_wait3A_221 = arith.constant 4096 : i32
    %dma_wait3A_222 = tpu.memref_slice %arg3[%add3A_153, %dma_wait3A_221] : memref<128x16384xi32, #tpu.memory_space<hbm>> -> memref<1x4096xi32, #tpu.memory_space<hbm>>
    %dma_wait3A_223 = tpu.memref_squeeze %dma_wait3A_222 : memref<1x4096xi32, #tpu.memory_space<hbm>> -> memref<4096xi32, #tpu.memory_space<hbm>>
    %dma_wait3A_224 = arith.constant 4096 : i32
    %dma_wait3A_225 = tpu.memref_slice %arg3[%add3A_153, %dma_wait3A_224] : memref<128x16384xi32, #tpu.memory_space<hbm>> -> memref<1x4096xi32, #tpu.memory_space<hbm>>
    %dma_wait3A_226 = tpu.memref_squeeze %dma_wait3A_225 : memref<1x4096xi32, #tpu.memory_space<hbm>> -> memref<4096xi32, #tpu.memory_space<hbm>>
    tpu.wait_dma2 semaphore(%arg14 : memref<!tpu.dma_semaphore, #tpu.memory_space<semaphore_mem>>) src(%dma_wait3A_226 : memref<4096xi32, #tpu.memory_space<hbm>>) dst(%arg8 : memref<4096xi32, #tpu.memory_space<vmem>>)
    %dma_wait3A_227 = arith.constant 4096 : i32
    %dma_wait3A_228 = tpu.memref_slice %arg4[%add3A_153, %dma_wait3A_227] : memref<128x16384xf32, #tpu.memory_space<hbm>> -> memref<1x4096xf32, #tpu.memory_space<hbm>>
    %dma_wait3A_229 = tpu.memref_squeeze %dma_wait3A_228 : memref<1x4096xf32, #tpu.memory_space<hbm>> -> memref<4096xf32, #tpu.memory_space<hbm>>
    %dma_wait3A_230 = arith.constant 4096 : i32
    %dma_wait3A_231 = tpu.memref_slice %arg4[%add3A_153, %dma_wait3A_230] : memref<128x16384xf32, #tpu.memory_space<hbm>> -> memref<1x4096xf32, #tpu.memory_space<hbm>>
    %dma_wait3A_232 = tpu.memref_squeeze %dma_wait3A_231 : memref<1x4096xf32, #tpu.memory_space<hbm>> -> memref<4096xf32, #tpu.memory_space<hbm>>
    tpu.wait_dma2 semaphore(%arg14 : memref<!tpu.dma_semaphore, #tpu.memory_space<semaphore_mem>>) src(%dma_wait3A_232 : memref<4096xf32, #tpu.memory_space<hbm>>) dst(%arg10 : memref<4096xf32, #tpu.memory_space<vmem>>)
    %scan3A_233 = arith.constant 0 : i32
    %scan3A_234 = arith.constant 0 : i32
    %scan3A_235 = arith.constant 256 : i32
    %scan3A_236 = arith.addi %scan3A_234, %scan3A_235 : i32
    %scan3A_237 = arith.constant 1 : i32
    %scan3A_238 = scf.for %scan3A_606 = %scan3A_234 to %scan3A_236 step %scan3A_237 iter_args(%scan3A_607 = %scan3A_233) -> (i32)  : i32 {
      %mul3A_608 = arith.constant 16 : i32
      %mul3A_609 = arith.muli %scan3A_606, %mul3A_608 : i32
      %get3A = arith.index_cast %mul3A_609 : i32 to index
      %get3A_610 = tpu.vector_load %arg8[%get3A] {strides = array<i32>} : memref<4096xi32, #tpu.memory_space<vmem>>, vector<16xi32>,
      %mul3A_611 = arith.constant 16 : i32
      %mul3A_612 = arith.muli %scan3A_606, %mul3A_611 : i32
      %get3A_613 = arith.index_cast %mul3A_612 : i32 to index
      %get3A_614 = tpu.vector_load %arg10[%get3A_613] {strides = array<i32>} : memref<4096xf32, #tpu.memory_space<vmem>>, vector<16xf32>,
      tpu.vector_store_idx %arg6[%get3A_610], %get3A_614 : memref<100000xf32, #tpu.memory_space<vmem>>[vector<16xi32>], vector<16xf32>,
      %scan3A_615 = arith.constant 0 : i32
      scf.yield %scan3A_615 : i32
    }
    %scan3A_239 = arith.constant 256 : i32
    %dma_start3A_240 = arith.constant 12288 : i32
    %dma_start3A_241 = tpu.memref_slice %arg3[%add3A_153, %dma_start3A_240] : memref<128x16384xi32, #tpu.memory_space<hbm>> -> memref<1x4096xi32, #tpu.memory_space<hbm>>
    %dma_start3A_242 = tpu.memref_squeeze %dma_start3A_241 : memref<1x4096xi32, #tpu.memory_space<hbm>> -> memref<4096xi32, #tpu.memory_space<hbm>>
    %dma_start3A_243 = arith.constant 12288 : i32
    %dma_start3A_244 = tpu.memref_slice %arg3[%add3A_153, %dma_start3A_243] : memref<128x16384xi32, #tpu.memory_space<hbm>> -> memref<1x4096xi32, #tpu.memory_space<hbm>>
    %dma_start3A_245 = tpu.memref_squeeze %dma_start3A_244 : memref<1x4096xi32, #tpu.memory_space<hbm>> -> memref<4096xi32, #tpu.memory_space<hbm>>
    tpu.enqueue_dma source(%dma_start3A_245 : memref<4096xi32, #tpu.memory_space<hbm>>) target(%arg8 : memref<4096xi32, #tpu.memory_space<vmem>>) target_semaphore(%arg14 : memref<!tpu.dma_semaphore, #tpu.memory_space<semaphore_mem>>)
    %dma_start3A_246 = arith.constant 12288 : i32
    %dma_start3A_247 = tpu.memref_slice %arg4[%add3A_153, %dma_start3A_246] : memref<128x16384xf32, #tpu.memory_space<hbm>> -> memref<1x4096xf32, #tpu.memory_space<hbm>>
    %dma_start3A_248 = tpu.memref_squeeze %dma_start3A_247 : memref<1x4096xf32, #tpu.memory_space<hbm>> -> memref<4096xf32, #tpu.memory_space<hbm>>
    %dma_start3A_249 = arith.constant 12288 : i32
    %dma_start3A_250 = tpu.memref_slice %arg4[%add3A_153, %dma_start3A_249] : memref<128x16384xf32, #tpu.memory_space<hbm>> -> memref<1x4096xf32, #tpu.memory_space<hbm>>
    %dma_start3A_251 = tpu.memref_squeeze %dma_start3A_250 : memref<1x4096xf32, #tpu.memory_space<hbm>> -> memref<4096xf32, #tpu.memory_space<hbm>>
    tpu.enqueue_dma source(%dma_start3A_251 : memref<4096xf32, #tpu.memory_space<hbm>>) target(%arg10 : memref<4096xf32, #tpu.memory_space<vmem>>) target_semaphore(%arg14 : memref<!tpu.dma_semaphore, #tpu.memory_space<semaphore_mem>>)
    %dma_wait3A_252 = arith.constant 8192 : i32
    %dma_wait3A_253 = tpu.memref_slice %arg3[%add3A_153, %dma_wait3A_252] : memref<128x16384xi32, #tpu.memory_space<hbm>> -> memref<1x4096xi32, #tpu.memory_space<hbm>>
    %dma_wait3A_254 = tpu.memref_squeeze %dma_wait3A_253 : memref<1x4096xi32, #tpu.memory_space<hbm>> -> memref<4096xi32, #tpu.memory_space<hbm>>
    %dma_wait3A_255 = arith.constant 8192 : i32
    %dma_wait3A_256 = tpu.memref_slice %arg3[%add3A_153, %dma_wait3A_255] : memref<128x16384xi32, #tpu.memory_space<hbm>> -> memref<1x4096xi32, #tpu.memory_space<hbm>>
    %dma_wait3A_257 = tpu.memref_squeeze %dma_wait3A_256 : memref<1x4096xi32, #tpu.memory_space<hbm>> -> memref<4096xi32, #tpu.memory_space<hbm>>
    tpu.wait_dma2 semaphore(%arg13 : memref<!tpu.dma_semaphore, #tpu.memory_space<semaphore_mem>>) src(%dma_wait3A_257 : memref<4096xi32, #tpu.memory_space<hbm>>) dst(%arg7 : memref<4096xi32, #tpu.memory_space<vmem>>)
    %dma_wait3A_258 = arith.constant 8192 : i32
    %dma_wait3A_259 = tpu.memref_slice %arg4[%add3A_153, %dma_wait3A_258] : memref<128x16384xf32, #tpu.memory_space<hbm>> -> memref<1x4096xf32, #tpu.memory_space<hbm>>
    %dma_wait3A_260 = tpu.memref_squeeze %dma_wait3A_259 : memref<1x4096xf32, #tpu.memory_space<hbm>> -> memref<4096xf32, #tpu.memory_space<hbm>>
    %dma_wait3A_261 = arith.constant 8192 : i32
    %dma_wait3A_262 = tpu.memref_slice %arg4[%add3A_153, %dma_wait3A_261] : memref<128x16384xf32, #tpu.memory_space<hbm>> -> memref<1x4096xf32, #tpu.memory_space<hbm>>
    %dma_wait3A_263 = tpu.memref_squeeze %dma_wait3A_262 : memref<1x4096xf32, #tpu.memory_space<hbm>> -> memref<4096xf32, #tpu.memory_space<hbm>>
    tpu.wait_dma2 semaphore(%arg13 : memref<!tpu.dma_semaphore, #tpu.memory_space<semaphore_mem>>) src(%dma_wait3A_263 : memref<4096xf32, #tpu.memory_space<hbm>>) dst(%arg9 : memref<4096xf32, #tpu.memory_space<vmem>>)
    %scan3A_264 = arith.constant 0 : i32
    %scan3A_265 = arith.constant 0 : i32
    %scan3A_266 = arith.constant 256 : i32
    %scan3A_267 = arith.addi %scan3A_265, %scan3A_266 : i32
    %scan3A_268 = arith.constant 1 : i32
    %scan3A_269 = scf.for %scan3A_606 = %scan3A_265 to %scan3A_267 step %scan3A_268 iter_args(%scan3A_607 = %scan3A_264) -> (i32)  : i32 {
      %mul3A_608 = arith.constant 16 : i32
      %mul3A_609 = arith.muli %scan3A_606, %mul3A_608 : i32
      %get3A = arith.index_cast %mul3A_609 : i32 to index
      %get3A_610 = tpu.vector_load %arg7[%get3A] {strides = array<i32>} : memref<4096xi32, #tpu.memory_space<vmem>>, vector<16xi32>,
      %mul3A_611 = arith.constant 16 : i32
      %mul3A_612 = arith.muli %scan3A_606, %mul3A_611 : i32
      %get3A_613 = arith.index_cast %mul3A_612 : i32 to index
      %get3A_614 = tpu.vector_load %arg9[%get3A_613] {strides = array<i32>} : memref<4096xf32, #tpu.memory_space<vmem>>, vector<16xf32>,
      tpu.vector_store_idx %arg6[%get3A_610], %get3A_614 : memref<100000xf32, #tpu.memory_space<vmem>>[vector<16xi32>], vector<16xf32>,
      %scan3A_615 = arith.constant 0 : i32
      scf.yield %scan3A_615 : i32
    }
    %scan3A_270 = arith.constant 256 : i32
    %dma_wait3A_271 = arith.constant 12288 : i32
    %dma_wait3A_272 = tpu.memref_slice %arg3[%add3A_153, %dma_wait3A_271] : memref<128x16384xi32, #tpu.memory_space<hbm>> -> memref<1x4096xi32, #tpu.memory_space<hbm>>
    %dma_wait3A_273 = tpu.memref_squeeze %dma_wait3A_272 : memref<1x4096xi32, #tpu.memory_space<hbm>> -> memref<4096xi32, #tpu.memory_space<hbm>>
    %dma_wait3A_274 = arith.constant 12288 : i32
    %dma_wait3A_275 = tpu.memref_slice %arg3[%add3A_153, %dma_wait3A_274] : memref<128x16384xi32, #tpu.memory_space<hbm>> -> memref<1x4096xi32, #tpu.memory_space<hbm>>
    %dma_wait3A_276 = tpu.memref_squeeze %dma_wait3A_275 : memref<1x4096xi32, #tpu.memory_space<hbm>> -> memref<4096xi32, #tpu.memory_space<hbm>>
    tpu.wait_dma2 semaphore(%arg14 : memref<!tpu.dma_semaphore, #tpu.memory_space<semaphore_mem>>) src(%dma_wait3A_276 : memref<4096xi32, #tpu.memory_space<hbm>>) dst(%arg8 : memref<4096xi32, #tpu.memory_space<vmem>>)
    %dma_wait3A_277 = arith.constant 12288 : i32
    %dma_wait3A_278 = tpu.memref_slice %arg4[%add3A_153, %dma_wait3A_277] : memref<128x16384xf32, #tpu.memory_space<hbm>> -> memref<1x4096xf32, #tpu.memory_space<hbm>>
    %dma_wait3A_279 = tpu.memref_squeeze %dma_wait3A_278 : memref<1x4096xf32, #tpu.memory_space<hbm>> -> memref<4096xf32, #tpu.memory_space<hbm>>
    %dma_wait3A_280 = arith.constant 12288 : i32
    %dma_wait3A_281 = tpu.memref_slice %arg4[%add3A_153, %dma_wait3A_280] : memref<128x16384xf32, #tpu.memory_space<hbm>> -> memref<1x4096xf32, #tpu.memory_space<hbm>>
    %dma_wait3A_282 = tpu.memref_squeeze %dma_wait3A_281 : memref<1x4096xf32, #tpu.memory_space<hbm>> -> memref<4096xf32, #tpu.memory_space<hbm>>
    tpu.wait_dma2 semaphore(%arg14 : memref<!tpu.dma_semaphore, #tpu.memory_space<semaphore_mem>>) src(%dma_wait3A_282 : memref<4096xf32, #tpu.memory_space<hbm>>) dst(%arg10 : memref<4096xf32, #tpu.memory_space<vmem>>)
    %scan3A_283 = arith.constant 0 : i32
    %scan3A_284 = arith.constant 0 : i32
    %scan3A_285 = arith.constant 256 : i32
    %scan3A_286 = arith.addi %scan3A_284, %scan3A_285 : i32
    %scan3A_287 = arith.constant 1 : i32
    %scan3A_288 = scf.for %scan3A_606 = %scan3A_284 to %scan3A_286 step %scan3A_287 iter_args(%scan3A_607 = %scan3A_283) -> (i32)  : i32 {
      %mul3A_608 = arith.constant 16 : i32
      %mul3A_609 = arith.muli %scan3A_606, %mul3A_608 : i32
      %get3A = arith.index_cast %mul3A_609 : i32 to index
      %get3A_610 = tpu.vector_load %arg8[%get3A] {strides = array<i32>} : memref<4096xi32, #tpu.memory_space<vmem>>, vector<16xi32>,
      %mul3A_611 = arith.constant 16 : i32
      %mul3A_612 = arith.muli %scan3A_606, %mul3A_611 : i32
      %get3A_613 = arith.index_cast %mul3A_612 : i32 to index
      %get3A_614 = tpu.vector_load %arg10[%get3A_613] {strides = array<i32>} : memref<4096xf32, #tpu.memory_space<vmem>>, vector<16xf32>,
      tpu.vector_store_idx %arg6[%get3A_610], %get3A_614 : memref<100000xf32, #tpu.memory_space<vmem>>[vector<16xi32>], vector<16xf32>,
      %scan3A_615 = arith.constant 0 : i32
      scf.yield %scan3A_615 : i32
    }
    %scan3A_289 = arith.constant 256 : i32
    %dma_start3A_290 = arith.constant 0 : i32
    %dma_start3A_291 = tpu.memref_slice %arg5[%add3A_153, %dma_start3A_290] : memref<128x100000xf32, #tpu.memory_space<hbm>> -> memref<1x100000xf32, #tpu.memory_space<hbm>>
    %dma_start3A_292 = tpu.memref_squeeze %dma_start3A_291 : memref<1x100000xf32, #tpu.memory_space<hbm>> -> memref<100000xf32, #tpu.memory_space<hbm>>
    %dma_start3A_293 = arith.constant 0 : i32
    %dma_start3A_294 = tpu.memref_slice %arg5[%add3A_153, %dma_start3A_293] : memref<128x100000xf32, #tpu.memory_space<hbm>> -> memref<1x100000xf32, #tpu.memory_space<hbm>>
    %dma_start3A_295 = tpu.memref_squeeze %dma_start3A_294 : memref<1x100000xf32, #tpu.memory_space<hbm>> -> memref<100000xf32, #tpu.memory_space<hbm>>
    tpu.enqueue_dma source(%arg6 : memref<100000xf32, #tpu.memory_space<vmem>>) target(%dma_start3A_295 : memref<100000xf32, #tpu.memory_space<hbm>>) target_semaphore(%arg12 : memref<!tpu.dma_semaphore, #tpu.memory_space<semaphore_mem>>)
    %dma_wait3A_296 = arith.constant 0 : i32
    %dma_wait3A_297 = tpu.memref_slice %arg5[%add3A_153, %dma_wait3A_296] : memref<128x100000xf32, #tpu.memory_space<hbm>> -> memref<1x100000xf32, #tpu.memory_space<hbm>>
    %dma_wait3A_298 = tpu.memref_squeeze %dma_wait3A_297 : memref<1x100000xf32, #tpu.memory_space<hbm>> -> memref<100000xf32, #tpu.memory_space<hbm>>
    %dma_wait3A_299 = arith.constant 0 : i32
    %dma_wait3A_300 = tpu.memref_slice %arg5[%add3A_153, %dma_wait3A_299] : memref<128x100000xf32, #tpu.memory_space<hbm>> -> memref<1x100000xf32, #tpu.memory_space<hbm>>
    %dma_wait3A_301 = tpu.memref_squeeze %dma_wait3A_300 : memref<1x100000xf32, #tpu.memory_space<hbm>> -> memref<100000xf32, #tpu.memory_space<hbm>>
    tpu.wait_dma2 semaphore(%arg12 : memref<!tpu.dma_semaphore, #tpu.memory_space<semaphore_mem>>) src(%arg6 : memref<100000xf32, #tpu.memory_space<vmem>>) dst(%dma_wait3A_301 : memref<100000xf32, #tpu.memory_space<hbm>>)
    %mul3A_302 = arith.constant 4 : i32
    %mul3A_303 = arith.muli %add3A, %mul3A_302 : i32
    %add3A_304 = arith.constant 2 : i32
    %add3A_305 = arith.addi %mul3A_303, %add3A_304 : i32
    %dma_start3A_306 = arith.constant 0 : i32
    %dma_start3A_307 = tpu.memref_slice %arg2[%add3A_305, %dma_start3A_306] : memref<128x100000xf32, #tpu.memory_space<hbm>> -> memref<1x100000xf32, #tpu.memory_space<hbm>>
    %dma_start3A_308 = tpu.memref_squeeze %dma_start3A_307 : memref<1x100000xf32, #tpu.memory_space<hbm>> -> memref<100000xf32, #tpu.memory_space<hbm>>
    %dma_start3A_309 = arith.constant 0 : i32
    %dma_start3A_310 = tpu.memref_slice %arg2[%add3A_305, %dma_start3A_309] : memref<128x100000xf32, #tpu.memory_space<hbm>> -> memref<1x100000xf32, #tpu.memory_space<hbm>>
    %dma_start3A_311 = tpu.memref_squeeze %dma_start3A_310 : memref<1x100000xf32, #tpu.memory_space<hbm>> -> memref<100000xf32, #tpu.memory_space<hbm>>
    tpu.enqueue_dma source(%dma_start3A_311 : memref<100000xf32, #tpu.memory_space<hbm>>) target(%arg6 : memref<100000xf32, #tpu.memory_space<vmem>>) target_semaphore(%arg11 : memref<!tpu.dma_semaphore, #tpu.memory_space<semaphore_mem>>)
    %dma_start3A_312 = arith.constant 0 : i32
    %dma_start3A_313 = tpu.memref_slice %arg3[%add3A_305, %dma_start3A_312] : memref<128x16384xi32, #tpu.memory_space<hbm>> -> memref<1x4096xi32, #tpu.memory_space<hbm>>
    %dma_start3A_314 = tpu.memref_squeeze %dma_start3A_313 : memref<1x4096xi32, #tpu.memory_space<hbm>> -> memref<4096xi32, #tpu.memory_space<hbm>>
    %dma_start3A_315 = arith.constant 0 : i32
    %dma_start3A_316 = tpu.memref_slice %arg3[%add3A_305, %dma_start3A_315] : memref<128x16384xi32, #tpu.memory_space<hbm>> -> memref<1x4096xi32, #tpu.memory_space<hbm>>
    %dma_start3A_317 = tpu.memref_squeeze %dma_start3A_316 : memref<1x4096xi32, #tpu.memory_space<hbm>> -> memref<4096xi32, #tpu.memory_space<hbm>>
    tpu.enqueue_dma source(%dma_start3A_317 : memref<4096xi32, #tpu.memory_space<hbm>>) target(%arg7 : memref<4096xi32, #tpu.memory_space<vmem>>) target_semaphore(%arg13 : memref<!tpu.dma_semaphore, #tpu.memory_space<semaphore_mem>>)
    %dma_start3A_318 = arith.constant 0 : i32
    %dma_start3A_319 = tpu.memref_slice %arg4[%add3A_305, %dma_start3A_318] : memref<128x16384xf32, #tpu.memory_space<hbm>> -> memref<1x4096xf32, #tpu.memory_space<hbm>>
    %dma_start3A_320 = tpu.memref_squeeze %dma_start3A_319 : memref<1x4096xf32, #tpu.memory_space<hbm>> -> memref<4096xf32, #tpu.memory_space<hbm>>
    %dma_start3A_321 = arith.constant 0 : i32
    %dma_start3A_322 = tpu.memref_slice %arg4[%add3A_305, %dma_start3A_321] : memref<128x16384xf32, #tpu.memory_space<hbm>> -> memref<1x4096xf32, #tpu.memory_space<hbm>>
    %dma_start3A_323 = tpu.memref_squeeze %dma_start3A_322 : memref<1x4096xf32, #tpu.memory_space<hbm>> -> memref<4096xf32, #tpu.memory_space<hbm>>
    tpu.enqueue_dma source(%dma_start3A_323 : memref<4096xf32, #tpu.memory_space<hbm>>) target(%arg9 : memref<4096xf32, #tpu.memory_space<vmem>>) target_semaphore(%arg13 : memref<!tpu.dma_semaphore, #tpu.memory_space<semaphore_mem>>)
    %dma_wait3A_324 = arith.constant 0 : i32
    %dma_wait3A_325 = tpu.memref_slice %arg2[%add3A_305, %dma_wait3A_324] : memref<128x100000xf32, #tpu.memory_space<hbm>> -> memref<1x100000xf32, #tpu.memory_space<hbm>>
    %dma_wait3A_326 = tpu.memref_squeeze %dma_wait3A_325 : memref<1x100000xf32, #tpu.memory_space<hbm>> -> memref<100000xf32, #tpu.memory_space<hbm>>
    %dma_wait3A_327 = arith.constant 0 : i32
    %dma_wait3A_328 = tpu.memref_slice %arg2[%add3A_305, %dma_wait3A_327] : memref<128x100000xf32, #tpu.memory_space<hbm>> -> memref<1x100000xf32, #tpu.memory_space<hbm>>
    %dma_wait3A_329 = tpu.memref_squeeze %dma_wait3A_328 : memref<1x100000xf32, #tpu.memory_space<hbm>> -> memref<100000xf32, #tpu.memory_space<hbm>>
    tpu.wait_dma2 semaphore(%arg11 : memref<!tpu.dma_semaphore, #tpu.memory_space<semaphore_mem>>) src(%dma_wait3A_329 : memref<100000xf32, #tpu.memory_space<hbm>>) dst(%arg6 : memref<100000xf32, #tpu.memory_space<vmem>>)
    %dma_start3A_330 = arith.constant 4096 : i32
    %dma_start3A_331 = tpu.memref_slice %arg3[%add3A_305, %dma_start3A_330] : memref<128x16384xi32, #tpu.memory_space<hbm>> -> memref<1x4096xi32, #tpu.memory_space<hbm>>
    %dma_start3A_332 = tpu.memref_squeeze %dma_start3A_331 : memref<1x4096xi32, #tpu.memory_space<hbm>> -> memref<4096xi32, #tpu.memory_space<hbm>>
    %dma_start3A_333 = arith.constant 4096 : i32
    %dma_start3A_334 = tpu.memref_slice %arg3[%add3A_305, %dma_start3A_333] : memref<128x16384xi32, #tpu.memory_space<hbm>> -> memref<1x4096xi32, #tpu.memory_space<hbm>>
    %dma_start3A_335 = tpu.memref_squeeze %dma_start3A_334 : memref<1x4096xi32, #tpu.memory_space<hbm>> -> memref<4096xi32, #tpu.memory_space<hbm>>
    tpu.enqueue_dma source(%dma_start3A_335 : memref<4096xi32, #tpu.memory_space<hbm>>) target(%arg8 : memref<4096xi32, #tpu.memory_space<vmem>>) target_semaphore(%arg14 : memref<!tpu.dma_semaphore, #tpu.memory_space<semaphore_mem>>)
    %dma_start3A_336 = arith.constant 4096 : i32
    %dma_start3A_337 = tpu.memref_slice %arg4[%add3A_305, %dma_start3A_336] : memref<128x16384xf32, #tpu.memory_space<hbm>> -> memref<1x4096xf32, #tpu.memory_space<hbm>>
    %dma_start3A_338 = tpu.memref_squeeze %dma_start3A_337 : memref<1x4096xf32, #tpu.memory_space<hbm>> -> memref<4096xf32, #tpu.memory_space<hbm>>
    %dma_start3A_339 = arith.constant 4096 : i32
    %dma_start3A_340 = tpu.memref_slice %arg4[%add3A_305, %dma_start3A_339] : memref<128x16384xf32, #tpu.memory_space<hbm>> -> memref<1x4096xf32, #tpu.memory_space<hbm>>
    %dma_start3A_341 = tpu.memref_squeeze %dma_start3A_340 : memref<1x4096xf32, #tpu.memory_space<hbm>> -> memref<4096xf32, #tpu.memory_space<hbm>>
    tpu.enqueue_dma source(%dma_start3A_341 : memref<4096xf32, #tpu.memory_space<hbm>>) target(%arg10 : memref<4096xf32, #tpu.memory_space<vmem>>) target_semaphore(%arg14 : memref<!tpu.dma_semaphore, #tpu.memory_space<semaphore_mem>>)
    %dma_wait3A_342 = arith.constant 0 : i32
    %dma_wait3A_343 = tpu.memref_slice %arg3[%add3A_305, %dma_wait3A_342] : memref<128x16384xi32, #tpu.memory_space<hbm>> -> memref<1x4096xi32, #tpu.memory_space<hbm>>
    %dma_wait3A_344 = tpu.memref_squeeze %dma_wait3A_343 : memref<1x4096xi32, #tpu.memory_space<hbm>> -> memref<4096xi32, #tpu.memory_space<hbm>>
    %dma_wait3A_345 = arith.constant 0 : i32
    %dma_wait3A_346 = tpu.memref_slice %arg3[%add3A_305, %dma_wait3A_345] : memref<128x16384xi32, #tpu.memory_space<hbm>> -> memref<1x4096xi32, #tpu.memory_space<hbm>>
    %dma_wait3A_347 = tpu.memref_squeeze %dma_wait3A_346 : memref<1x4096xi32, #tpu.memory_space<hbm>> -> memref<4096xi32, #tpu.memory_space<hbm>>
    tpu.wait_dma2 semaphore(%arg13 : memref<!tpu.dma_semaphore, #tpu.memory_space<semaphore_mem>>) src(%dma_wait3A_347 : memref<4096xi32, #tpu.memory_space<hbm>>) dst(%arg7 : memref<4096xi32, #tpu.memory_space<vmem>>)
    %dma_wait3A_348 = arith.constant 0 : i32
    %dma_wait3A_349 = tpu.memref_slice %arg4[%add3A_305, %dma_wait3A_348] : memref<128x16384xf32, #tpu.memory_space<hbm>> -> memref<1x4096xf32, #tpu.memory_space<hbm>>
    %dma_wait3A_350 = tpu.memref_squeeze %dma_wait3A_349 : memref<1x4096xf32, #tpu.memory_space<hbm>> -> memref<4096xf32, #tpu.memory_space<hbm>>
    %dma_wait3A_351 = arith.constant 0 : i32
    %dma_wait3A_352 = tpu.memref_slice %arg4[%add3A_305, %dma_wait3A_351] : memref<128x16384xf32, #tpu.memory_space<hbm>> -> memref<1x4096xf32, #tpu.memory_space<hbm>>
    %dma_wait3A_353 = tpu.memref_squeeze %dma_wait3A_352 : memref<1x4096xf32, #tpu.memory_space<hbm>> -> memref<4096xf32, #tpu.memory_space<hbm>>
    tpu.wait_dma2 semaphore(%arg13 : memref<!tpu.dma_semaphore, #tpu.memory_space<semaphore_mem>>) src(%dma_wait3A_353 : memref<4096xf32, #tpu.memory_space<hbm>>) dst(%arg9 : memref<4096xf32, #tpu.memory_space<vmem>>)
    %scan3A_354 = arith.constant 0 : i32
    %scan3A_355 = arith.constant 0 : i32
    %scan3A_356 = arith.constant 256 : i32
    %scan3A_357 = arith.addi %scan3A_355, %scan3A_356 : i32
    %scan3A_358 = arith.constant 1 : i32
    %scan3A_359 = scf.for %scan3A_606 = %scan3A_355 to %scan3A_357 step %scan3A_358 iter_args(%scan3A_607 = %scan3A_354) -> (i32)  : i32 {
      %mul3A_608 = arith.constant 16 : i32
      %mul3A_609 = arith.muli %scan3A_606, %mul3A_608 : i32
      %get3A = arith.index_cast %mul3A_609 : i32 to index
      %get3A_610 = tpu.vector_load %arg7[%get3A] {strides = array<i32>} : memref<4096xi32, #tpu.memory_space<vmem>>, vector<16xi32>,
      %mul3A_611 = arith.constant 16 : i32
      %mul3A_612 = arith.muli %scan3A_606, %mul3A_611 : i32
      %get3A_613 = arith.index_cast %mul3A_612 : i32 to index
      %get3A_614 = tpu.vector_load %arg9[%get3A_613] {strides = array<i32>} : memref<4096xf32, #tpu.memory_space<vmem>>, vector<16xf32>,
      tpu.vector_store_idx %arg6[%get3A_610], %get3A_614 : memref<100000xf32, #tpu.memory_space<vmem>>[vector<16xi32>], vector<16xf32>,
      %scan3A_615 = arith.constant 0 : i32
      scf.yield %scan3A_615 : i32
    }
    %scan3A_360 = arith.constant 256 : i32
    %dma_start3A_361 = arith.constant 8192 : i32
    %dma_start3A_362 = tpu.memref_slice %arg3[%add3A_305, %dma_start3A_361] : memref<128x16384xi32, #tpu.memory_space<hbm>> -> memref<1x4096xi32, #tpu.memory_space<hbm>>
    %dma_start3A_363 = tpu.memref_squeeze %dma_start3A_362 : memref<1x4096xi32, #tpu.memory_space<hbm>> -> memref<4096xi32, #tpu.memory_space<hbm>>
    %dma_start3A_364 = arith.constant 8192 : i32
    %dma_start3A_365 = tpu.memref_slice %arg3[%add3A_305, %dma_start3A_364] : memref<128x16384xi32, #tpu.memory_space<hbm>> -> memref<1x4096xi32, #tpu.memory_space<hbm>>
    %dma_start3A_366 = tpu.memref_squeeze %dma_start3A_365 : memref<1x4096xi32, #tpu.memory_space<hbm>> -> memref<4096xi32, #tpu.memory_space<hbm>>
    tpu.enqueue_dma source(%dma_start3A_366 : memref<4096xi32, #tpu.memory_space<hbm>>) target(%arg7 : memref<4096xi32, #tpu.memory_space<vmem>>) target_semaphore(%arg13 : memref<!tpu.dma_semaphore, #tpu.memory_space<semaphore_mem>>)
    %dma_start3A_367 = arith.constant 8192 : i32
    %dma_start3A_368 = tpu.memref_slice %arg4[%add3A_305, %dma_start3A_367] : memref<128x16384xf32, #tpu.memory_space<hbm>> -> memref<1x4096xf32, #tpu.memory_space<hbm>>
    %dma_start3A_369 = tpu.memref_squeeze %dma_start3A_368 : memref<1x4096xf32, #tpu.memory_space<hbm>> -> memref<4096xf32, #tpu.memory_space<hbm>>
    %dma_start3A_370 = arith.constant 8192 : i32
    %dma_start3A_371 = tpu.memref_slice %arg4[%add3A_305, %dma_start3A_370] : memref<128x16384xf32, #tpu.memory_space<hbm>> -> memref<1x4096xf32, #tpu.memory_space<hbm>>
    %dma_start3A_372 = tpu.memref_squeeze %dma_start3A_371 : memref<1x4096xf32, #tpu.memory_space<hbm>> -> memref<4096xf32, #tpu.memory_space<hbm>>
    tpu.enqueue_dma source(%dma_start3A_372 : memref<4096xf32, #tpu.memory_space<hbm>>) target(%arg9 : memref<4096xf32, #tpu.memory_space<vmem>>) target_semaphore(%arg13 : memref<!tpu.dma_semaphore, #tpu.memory_space<semaphore_mem>>)
    %dma_wait3A_373 = arith.constant 4096 : i32
    %dma_wait3A_374 = tpu.memref_slice %arg3[%add3A_305, %dma_wait3A_373] : memref<128x16384xi32, #tpu.memory_space<hbm>> -> memref<1x4096xi32, #tpu.memory_space<hbm>>
    %dma_wait3A_375 = tpu.memref_squeeze %dma_wait3A_374 : memref<1x4096xi32, #tpu.memory_space<hbm>> -> memref<4096xi32, #tpu.memory_space<hbm>>
    %dma_wait3A_376 = arith.constant 4096 : i32
    %dma_wait3A_377 = tpu.memref_slice %arg3[%add3A_305, %dma_wait3A_376] : memref<128x16384xi32, #tpu.memory_space<hbm>> -> memref<1x4096xi32, #tpu.memory_space<hbm>>
    %dma_wait3A_378 = tpu.memref_squeeze %dma_wait3A_377 : memref<1x4096xi32, #tpu.memory_space<hbm>> -> memref<4096xi32, #tpu.memory_space<hbm>>
    tpu.wait_dma2 semaphore(%arg14 : memref<!tpu.dma_semaphore, #tpu.memory_space<semaphore_mem>>) src(%dma_wait3A_378 : memref<4096xi32, #tpu.memory_space<hbm>>) dst(%arg8 : memref<4096xi32, #tpu.memory_space<vmem>>)
    %dma_wait3A_379 = arith.constant 4096 : i32
    %dma_wait3A_380 = tpu.memref_slice %arg4[%add3A_305, %dma_wait3A_379] : memref<128x16384xf32, #tpu.memory_space<hbm>> -> memref<1x4096xf32, #tpu.memory_space<hbm>>
    %dma_wait3A_381 = tpu.memref_squeeze %dma_wait3A_380 : memref<1x4096xf32, #tpu.memory_space<hbm>> -> memref<4096xf32, #tpu.memory_space<hbm>>
    %dma_wait3A_382 = arith.constant 4096 : i32
    %dma_wait3A_383 = tpu.memref_slice %arg4[%add3A_305, %dma_wait3A_382] : memref<128x16384xf32, #tpu.memory_space<hbm>> -> memref<1x4096xf32, #tpu.memory_space<hbm>>
    %dma_wait3A_384 = tpu.memref_squeeze %dma_wait3A_383 : memref<1x4096xf32, #tpu.memory_space<hbm>> -> memref<4096xf32, #tpu.memory_space<hbm>>
    tpu.wait_dma2 semaphore(%arg14 : memref<!tpu.dma_semaphore, #tpu.memory_space<semaphore_mem>>) src(%dma_wait3A_384 : memref<4096xf32, #tpu.memory_space<hbm>>) dst(%arg10 : memref<4096xf32, #tpu.memory_space<vmem>>)
    %scan3A_385 = arith.constant 0 : i32
    %scan3A_386 = arith.constant 0 : i32
    %scan3A_387 = arith.constant 256 : i32
    %scan3A_388 = arith.addi %scan3A_386, %scan3A_387 : i32
    %scan3A_389 = arith.constant 1 : i32
    %scan3A_390 = scf.for %scan3A_606 = %scan3A_386 to %scan3A_388 step %scan3A_389 iter_args(%scan3A_607 = %scan3A_385) -> (i32)  : i32 {
      %mul3A_608 = arith.constant 16 : i32
      %mul3A_609 = arith.muli %scan3A_606, %mul3A_608 : i32
      %get3A = arith.index_cast %mul3A_609 : i32 to index
      %get3A_610 = tpu.vector_load %arg8[%get3A] {strides = array<i32>} : memref<4096xi32, #tpu.memory_space<vmem>>, vector<16xi32>,
      %mul3A_611 = arith.constant 16 : i32
      %mul3A_612 = arith.muli %scan3A_606, %mul3A_611 : i32
      %get3A_613 = arith.index_cast %mul3A_612 : i32 to index
      %get3A_614 = tpu.vector_load %arg10[%get3A_613] {strides = array<i32>} : memref<4096xf32, #tpu.memory_space<vmem>>, vector<16xf32>,
      tpu.vector_store_idx %arg6[%get3A_610], %get3A_614 : memref<100000xf32, #tpu.memory_space<vmem>>[vector<16xi32>], vector<16xf32>,
      %scan3A_615 = arith.constant 0 : i32
      scf.yield %scan3A_615 : i32
    }
    %scan3A_391 = arith.constant 256 : i32
    %dma_start3A_392 = arith.constant 12288 : i32
    %dma_start3A_393 = tpu.memref_slice %arg3[%add3A_305, %dma_start3A_392] : memref<128x16384xi32, #tpu.memory_space<hbm>> -> memref<1x4096xi32, #tpu.memory_space<hbm>>
    %dma_start3A_394 = tpu.memref_squeeze %dma_start3A_393 : memref<1x4096xi32, #tpu.memory_space<hbm>> -> memref<4096xi32, #tpu.memory_space<hbm>>
    %dma_start3A_395 = arith.constant 12288 : i32
    %dma_start3A_396 = tpu.memref_slice %arg3[%add3A_305, %dma_start3A_395] : memref<128x16384xi32, #tpu.memory_space<hbm>> -> memref<1x4096xi32, #tpu.memory_space<hbm>>
    %dma_start3A_397 = tpu.memref_squeeze %dma_start3A_396 : memref<1x4096xi32, #tpu.memory_space<hbm>> -> memref<4096xi32, #tpu.memory_space<hbm>>
    tpu.enqueue_dma source(%dma_start3A_397 : memref<4096xi32, #tpu.memory_space<hbm>>) target(%arg8 : memref<4096xi32, #tpu.memory_space<vmem>>) target_semaphore(%arg14 : memref<!tpu.dma_semaphore, #tpu.memory_space<semaphore_mem>>)
    %dma_start3A_398 = arith.constant 12288 : i32
    %dma_start3A_399 = tpu.memref_slice %arg4[%add3A_305, %dma_start3A_398] : memref<128x16384xf32, #tpu.memory_space<hbm>> -> memref<1x4096xf32, #tpu.memory_space<hbm>>
    %dma_start3A_400 = tpu.memref_squeeze %dma_start3A_399 : memref<1x4096xf32, #tpu.memory_space<hbm>> -> memref<4096xf32, #tpu.memory_space<hbm>>
    %dma_start3A_401 = arith.constant 12288 : i32
    %dma_start3A_402 = tpu.memref_slice %arg4[%add3A_305, %dma_start3A_401] : memref<128x16384xf32, #tpu.memory_space<hbm>> -> memref<1x4096xf32, #tpu.memory_space<hbm>>
    %dma_start3A_403 = tpu.memref_squeeze %dma_start3A_402 : memref<1x4096xf32, #tpu.memory_space<hbm>> -> memref<4096xf32, #tpu.memory_space<hbm>>
    tpu.enqueue_dma source(%dma_start3A_403 : memref<4096xf32, #tpu.memory_space<hbm>>) target(%arg10 : memref<4096xf32, #tpu.memory_space<vmem>>) target_semaphore(%arg14 : memref<!tpu.dma_semaphore, #tpu.memory_space<semaphore_mem>>)
    %dma_wait3A_404 = arith.constant 8192 : i32
    %dma_wait3A_405 = tpu.memref_slice %arg3[%add3A_305, %dma_wait3A_404] : memref<128x16384xi32, #tpu.memory_space<hbm>> -> memref<1x4096xi32, #tpu.memory_space<hbm>>
    %dma_wait3A_406 = tpu.memref_squeeze %dma_wait3A_405 : memref<1x4096xi32, #tpu.memory_space<hbm>> -> memref<4096xi32, #tpu.memory_space<hbm>>
    %dma_wait3A_407 = arith.constant 8192 : i32
    %dma_wait3A_408 = tpu.memref_slice %arg3[%add3A_305, %dma_wait3A_407] : memref<128x16384xi32, #tpu.memory_space<hbm>> -> memref<1x4096xi32, #tpu.memory_space<hbm>>
    %dma_wait3A_409 = tpu.memref_squeeze %dma_wait3A_408 : memref<1x4096xi32, #tpu.memory_space<hbm>> -> memref<4096xi32, #tpu.memory_space<hbm>>
    tpu.wait_dma2 semaphore(%arg13 : memref<!tpu.dma_semaphore, #tpu.memory_space<semaphore_mem>>) src(%dma_wait3A_409 : memref<4096xi32, #tpu.memory_space<hbm>>) dst(%arg7 : memref<4096xi32, #tpu.memory_space<vmem>>)
    %dma_wait3A_410 = arith.constant 8192 : i32
    %dma_wait3A_411 = tpu.memref_slice %arg4[%add3A_305, %dma_wait3A_410] : memref<128x16384xf32, #tpu.memory_space<hbm>> -> memref<1x4096xf32, #tpu.memory_space<hbm>>
    %dma_wait3A_412 = tpu.memref_squeeze %dma_wait3A_411 : memref<1x4096xf32, #tpu.memory_space<hbm>> -> memref<4096xf32, #tpu.memory_space<hbm>>
    %dma_wait3A_413 = arith.constant 8192 : i32
    %dma_wait3A_414 = tpu.memref_slice %arg4[%add3A_305, %dma_wait3A_413] : memref<128x16384xf32, #tpu.memory_space<hbm>> -> memref<1x4096xf32, #tpu.memory_space<hbm>>
    %dma_wait3A_415 = tpu.memref_squeeze %dma_wait3A_414 : memref<1x4096xf32, #tpu.memory_space<hbm>> -> memref<4096xf32, #tpu.memory_space<hbm>>
    tpu.wait_dma2 semaphore(%arg13 : memref<!tpu.dma_semaphore, #tpu.memory_space<semaphore_mem>>) src(%dma_wait3A_415 : memref<4096xf32, #tpu.memory_space<hbm>>) dst(%arg9 : memref<4096xf32, #tpu.memory_space<vmem>>)
    %scan3A_416 = arith.constant 0 : i32
    %scan3A_417 = arith.constant 0 : i32
    %scan3A_418 = arith.constant 256 : i32
    %scan3A_419 = arith.addi %scan3A_417, %scan3A_418 : i32
    %scan3A_420 = arith.constant 1 : i32
    %scan3A_421 = scf.for %scan3A_606 = %scan3A_417 to %scan3A_419 step %scan3A_420 iter_args(%scan3A_607 = %scan3A_416) -> (i32)  : i32 {
      %mul3A_608 = arith.constant 16 : i32
      %mul3A_609 = arith.muli %scan3A_606, %mul3A_608 : i32
      %get3A = arith.index_cast %mul3A_609 : i32 to index
      %get3A_610 = tpu.vector_load %arg7[%get3A] {strides = array<i32>} : memref<4096xi32, #tpu.memory_space<vmem>>, vector<16xi32>,
      %mul3A_611 = arith.constant 16 : i32
      %mul3A_612 = arith.muli %scan3A_606, %mul3A_611 : i32
      %get3A_613 = arith.index_cast %mul3A_612 : i32 to index
      %get3A_614 = tpu.vector_load %arg9[%get3A_613] {strides = array<i32>} : memref<4096xf32, #tpu.memory_space<vmem>>, vector<16xf32>,
      tpu.vector_store_idx %arg6[%get3A_610], %get3A_614 : memref<100000xf32, #tpu.memory_space<vmem>>[vector<16xi32>], vector<16xf32>,
      %scan3A_615 = arith.constant 0 : i32
      scf.yield %scan3A_615 : i32
    }
    %scan3A_422 = arith.constant 256 : i32
    %dma_wait3A_423 = arith.constant 12288 : i32
    %dma_wait3A_424 = tpu.memref_slice %arg3[%add3A_305, %dma_wait3A_423] : memref<128x16384xi32, #tpu.memory_space<hbm>> -> memref<1x4096xi32, #tpu.memory_space<hbm>>
    %dma_wait3A_425 = tpu.memref_squeeze %dma_wait3A_424 : memref<1x4096xi32, #tpu.memory_space<hbm>> -> memref<4096xi32, #tpu.memory_space<hbm>>
    %dma_wait3A_426 = arith.constant 12288 : i32
    %dma_wait3A_427 = tpu.memref_slice %arg3[%add3A_305, %dma_wait3A_426] : memref<128x16384xi32, #tpu.memory_space<hbm>> -> memref<1x4096xi32, #tpu.memory_space<hbm>>
    %dma_wait3A_428 = tpu.memref_squeeze %dma_wait3A_427 : memref<1x4096xi32, #tpu.memory_space<hbm>> -> memref<4096xi32, #tpu.memory_space<hbm>>
    tpu.wait_dma2 semaphore(%arg14 : memref<!tpu.dma_semaphore, #tpu.memory_space<semaphore_mem>>) src(%dma_wait3A_428 : memref<4096xi32, #tpu.memory_space<hbm>>) dst(%arg8 : memref<4096xi32, #tpu.memory_space<vmem>>)
    %dma_wait3A_429 = arith.constant 12288 : i32
    %dma_wait3A_430 = tpu.memref_slice %arg4[%add3A_305, %dma_wait3A_429] : memref<128x16384xf32, #tpu.memory_space<hbm>> -> memref<1x4096xf32, #tpu.memory_space<hbm>>
    %dma_wait3A_431 = tpu.memref_squeeze %dma_wait3A_430 : memref<1x4096xf32, #tpu.memory_space<hbm>> -> memref<4096xf32, #tpu.memory_space<hbm>>
    %dma_wait3A_432 = arith.constant 12288 : i32
    %dma_wait3A_433 = tpu.memref_slice %arg4[%add3A_305, %dma_wait3A_432] : memref<128x16384xf32, #tpu.memory_space<hbm>> -> memref<1x4096xf32, #tpu.memory_space<hbm>>
    %dma_wait3A_434 = tpu.memref_squeeze %dma_wait3A_433 : memref<1x4096xf32, #tpu.memory_space<hbm>> -> memref<4096xf32, #tpu.memory_space<hbm>>
    tpu.wait_dma2 semaphore(%arg14 : memref<!tpu.dma_semaphore, #tpu.memory_space<semaphore_mem>>) src(%dma_wait3A_434 : memref<4096xf32, #tpu.memory_space<hbm>>) dst(%arg10 : memref<4096xf32, #tpu.memory_space<vmem>>)
    %scan3A_435 = arith.constant 0 : i32
    %scan3A_436 = arith.constant 0 : i32
    %scan3A_437 = arith.constant 256 : i32
    %scan3A_438 = arith.addi %scan3A_436, %scan3A_437 : i32
    %scan3A_439 = arith.constant 1 : i32
    %scan3A_440 = scf.for %scan3A_606 = %scan3A_436 to %scan3A_438 step %scan3A_439 iter_args(%scan3A_607 = %scan3A_435) -> (i32)  : i32 {
      %mul3A_608 = arith.constant 16 : i32
      %mul3A_609 = arith.muli %scan3A_606, %mul3A_608 : i32
      %get3A = arith.index_cast %mul3A_609 : i32 to index
      %get3A_610 = tpu.vector_load %arg8[%get3A] {strides = array<i32>} : memref<4096xi32, #tpu.memory_space<vmem>>, vector<16xi32>,
      %mul3A_611 = arith.constant 16 : i32
      %mul3A_612 = arith.muli %scan3A_606, %mul3A_611 : i32
      %get3A_613 = arith.index_cast %mul3A_612 : i32 to index
      %get3A_614 = tpu.vector_load %arg10[%get3A_613] {strides = array<i32>} : memref<4096xf32, #tpu.memory_space<vmem>>, vector<16xf32>,
      tpu.vector_store_idx %arg6[%get3A_610], %get3A_614 : memref<100000xf32, #tpu.memory_space<vmem>>[vector<16xi32>], vector<16xf32>,
      %scan3A_615 = arith.constant 0 : i32
      scf.yield %scan3A_615 : i32
    }
    %scan3A_441 = arith.constant 256 : i32
    %dma_start3A_442 = arith.constant 0 : i32
    %dma_start3A_443 = tpu.memref_slice %arg5[%add3A_305, %dma_start3A_442] : memref<128x100000xf32, #tpu.memory_space<hbm>> -> memref<1x100000xf32, #tpu.memory_space<hbm>>
    %dma_start3A_444 = tpu.memref_squeeze %dma_start3A_443 : memref<1x100000xf32, #tpu.memory_space<hbm>> -> memref<100000xf32, #tpu.memory_space<hbm>>
    %dma_start3A_445 = arith.constant 0 : i32
    %dma_start3A_446 = tpu.memref_slice %arg5[%add3A_305, %dma_start3A_445] : memref<128x100000xf32, #tpu.memory_space<hbm>> -> memref<1x100000xf32, #tpu.memory_space<hbm>>
    %dma_start3A_447 = tpu.memref_squeeze %dma_start3A_446 : memref<1x100000xf32, #tpu.memory_space<hbm>> -> memref<100000xf32, #tpu.memory_space<hbm>>
    tpu.enqueue_dma source(%arg6 : memref<100000xf32, #tpu.memory_space<vmem>>) target(%dma_start3A_447 : memref<100000xf32, #tpu.memory_space<hbm>>) target_semaphore(%arg12 : memref<!tpu.dma_semaphore, #tpu.memory_space<semaphore_mem>>)
    %dma_wait3A_448 = arith.constant 0 : i32
    %dma_wait3A_449 = tpu.memref_slice %arg5[%add3A_305, %dma_wait3A_448] : memref<128x100000xf32, #tpu.memory_space<hbm>> -> memref<1x100000xf32, #tpu.memory_space<hbm>>
    %dma_wait3A_450 = tpu.memref_squeeze %dma_wait3A_449 : memref<1x100000xf32, #tpu.memory_space<hbm>> -> memref<100000xf32, #tpu.memory_space<hbm>>
    %dma_wait3A_451 = arith.constant 0 : i32
    %dma_wait3A_452 = tpu.memref_slice %arg5[%add3A_305, %dma_wait3A_451] : memref<128x100000xf32, #tpu.memory_space<hbm>> -> memref<1x100000xf32, #tpu.memory_space<hbm>>
    %dma_wait3A_453 = tpu.memref_squeeze %dma_wait3A_452 : memref<1x100000xf32, #tpu.memory_space<hbm>> -> memref<100000xf32, #tpu.memory_space<hbm>>
    tpu.wait_dma2 semaphore(%arg12 : memref<!tpu.dma_semaphore, #tpu.memory_space<semaphore_mem>>) src(%arg6 : memref<100000xf32, #tpu.memory_space<vmem>>) dst(%dma_wait3A_453 : memref<100000xf32, #tpu.memory_space<hbm>>)
    %mul3A_454 = arith.constant 4 : i32
    %mul3A_455 = arith.muli %add3A, %mul3A_454 : i32
    %add3A_456 = arith.constant 3 : i32
    %add3A_457 = arith.addi %mul3A_455, %add3A_456 : i32
    %dma_start3A_458 = arith.constant 0 : i32
    %dma_start3A_459 = tpu.memref_slice %arg2[%add3A_457, %dma_start3A_458] : memref<128x100000xf32, #tpu.memory_space<hbm>> -> memref<1x100000xf32, #tpu.memory_space<hbm>>
    %dma_start3A_460 = tpu.memref_squeeze %dma_start3A_459 : memref<1x100000xf32, #tpu.memory_space<hbm>> -> memref<100000xf32, #tpu.memory_space<hbm>>
    %dma_start3A_461 = arith.constant 0 : i32
    %dma_start3A_462 = tpu.memref_slice %arg2[%add3A_457, %dma_start3A_461] : memref<128x100000xf32, #tpu.memory_space<hbm>> -> memref<1x100000xf32, #tpu.memory_space<hbm>>
    %dma_start3A_463 = tpu.memref_squeeze %dma_start3A_462 : memref<1x100000xf32, #tpu.memory_space<hbm>> -> memref<100000xf32, #tpu.memory_space<hbm>>
    tpu.enqueue_dma source(%dma_start3A_463 : memref<100000xf32, #tpu.memory_space<hbm>>) target(%arg6 : memref<100000xf32, #tpu.memory_space<vmem>>) target_semaphore(%arg11 : memref<!tpu.dma_semaphore, #tpu.memory_space<semaphore_mem>>)
    %dma_start3A_464 = arith.constant 0 : i32
    %dma_start3A_465 = tpu.memref_slice %arg3[%add3A_457, %dma_start3A_464] : memref<128x16384xi32, #tpu.memory_space<hbm>> -> memref<1x4096xi32, #tpu.memory_space<hbm>>
    %dma_start3A_466 = tpu.memref_squeeze %dma_start3A_465 : memref<1x4096xi32, #tpu.memory_space<hbm>> -> memref<4096xi32, #tpu.memory_space<hbm>>
    %dma_start3A_467 = arith.constant 0 : i32
    %dma_start3A_468 = tpu.memref_slice %arg3[%add3A_457, %dma_start3A_467] : memref<128x16384xi32, #tpu.memory_space<hbm>> -> memref<1x4096xi32, #tpu.memory_space<hbm>>
    %dma_start3A_469 = tpu.memref_squeeze %dma_start3A_468 : memref<1x4096xi32, #tpu.memory_space<hbm>> -> memref<4096xi32, #tpu.memory_space<hbm>>
    tpu.enqueue_dma source(%dma_start3A_469 : memref<4096xi32, #tpu.memory_space<hbm>>) target(%arg7 : memref<4096xi32, #tpu.memory_space<vmem>>) target_semaphore(%arg13 : memref<!tpu.dma_semaphore, #tpu.memory_space<semaphore_mem>>)
    %dma_start3A_470 = arith.constant 0 : i32
    %dma_start3A_471 = tpu.memref_slice %arg4[%add3A_457, %dma_start3A_470] : memref<128x16384xf32, #tpu.memory_space<hbm>> -> memref<1x4096xf32, #tpu.memory_space<hbm>>
    %dma_start3A_472 = tpu.memref_squeeze %dma_start3A_471 : memref<1x4096xf32, #tpu.memory_space<hbm>> -> memref<4096xf32, #tpu.memory_space<hbm>>
    %dma_start3A_473 = arith.constant 0 : i32
    %dma_start3A_474 = tpu.memref_slice %arg4[%add3A_457, %dma_start3A_473] : memref<128x16384xf32, #tpu.memory_space<hbm>> -> memref<1x4096xf32, #tpu.memory_space<hbm>>
    %dma_start3A_475 = tpu.memref_squeeze %dma_start3A_474 : memref<1x4096xf32, #tpu.memory_space<hbm>> -> memref<4096xf32, #tpu.memory_space<hbm>>
    tpu.enqueue_dma source(%dma_start3A_475 : memref<4096xf32, #tpu.memory_space<hbm>>) target(%arg9 : memref<4096xf32, #tpu.memory_space<vmem>>) target_semaphore(%arg13 : memref<!tpu.dma_semaphore, #tpu.memory_space<semaphore_mem>>)
    %dma_wait3A_476 = arith.constant 0 : i32
    %dma_wait3A_477 = tpu.memref_slice %arg2[%add3A_457, %dma_wait3A_476] : memref<128x100000xf32, #tpu.memory_space<hbm>> -> memref<1x100000xf32, #tpu.memory_space<hbm>>
    %dma_wait3A_478 = tpu.memref_squeeze %dma_wait3A_477 : memref<1x100000xf32, #tpu.memory_space<hbm>> -> memref<100000xf32, #tpu.memory_space<hbm>>
    %dma_wait3A_479 = arith.constant 0 : i32
    %dma_wait3A_480 = tpu.memref_slice %arg2[%add3A_457, %dma_wait3A_479] : memref<128x100000xf32, #tpu.memory_space<hbm>> -> memref<1x100000xf32, #tpu.memory_space<hbm>>
    %dma_wait3A_481 = tpu.memref_squeeze %dma_wait3A_480 : memref<1x100000xf32, #tpu.memory_space<hbm>> -> memref<100000xf32, #tpu.memory_space<hbm>>
    tpu.wait_dma2 semaphore(%arg11 : memref<!tpu.dma_semaphore, #tpu.memory_space<semaphore_mem>>) src(%dma_wait3A_481 : memref<100000xf32, #tpu.memory_space<hbm>>) dst(%arg6 : memref<100000xf32, #tpu.memory_space<vmem>>)
    %dma_start3A_482 = arith.constant 4096 : i32
    %dma_start3A_483 = tpu.memref_slice %arg3[%add3A_457, %dma_start3A_482] : memref<128x16384xi32, #tpu.memory_space<hbm>> -> memref<1x4096xi32, #tpu.memory_space<hbm>>
    %dma_start3A_484 = tpu.memref_squeeze %dma_start3A_483 : memref<1x4096xi32, #tpu.memory_space<hbm>> -> memref<4096xi32, #tpu.memory_space<hbm>>
    %dma_start3A_485 = arith.constant 4096 : i32
    %dma_start3A_486 = tpu.memref_slice %arg3[%add3A_457, %dma_start3A_485] : memref<128x16384xi32, #tpu.memory_space<hbm>> -> memref<1x4096xi32, #tpu.memory_space<hbm>>
    %dma_start3A_487 = tpu.memref_squeeze %dma_start3A_486 : memref<1x4096xi32, #tpu.memory_space<hbm>> -> memref<4096xi32, #tpu.memory_space<hbm>>
    tpu.enqueue_dma source(%dma_start3A_487 : memref<4096xi32, #tpu.memory_space<hbm>>) target(%arg8 : memref<4096xi32, #tpu.memory_space<vmem>>) target_semaphore(%arg14 : memref<!tpu.dma_semaphore, #tpu.memory_space<semaphore_mem>>)
    %dma_start3A_488 = arith.constant 4096 : i32
    %dma_start3A_489 = tpu.memref_slice %arg4[%add3A_457, %dma_start3A_488] : memref<128x16384xf32, #tpu.memory_space<hbm>> -> memref<1x4096xf32, #tpu.memory_space<hbm>>
    %dma_start3A_490 = tpu.memref_squeeze %dma_start3A_489 : memref<1x4096xf32, #tpu.memory_space<hbm>> -> memref<4096xf32, #tpu.memory_space<hbm>>
    %dma_start3A_491 = arith.constant 4096 : i32
    %dma_start3A_492 = tpu.memref_slice %arg4[%add3A_457, %dma_start3A_491] : memref<128x16384xf32, #tpu.memory_space<hbm>> -> memref<1x4096xf32, #tpu.memory_space<hbm>>
    %dma_start3A_493 = tpu.memref_squeeze %dma_start3A_492 : memref<1x4096xf32, #tpu.memory_space<hbm>> -> memref<4096xf32, #tpu.memory_space<hbm>>
    tpu.enqueue_dma source(%dma_start3A_493 : memref<4096xf32, #tpu.memory_space<hbm>>) target(%arg10 : memref<4096xf32, #tpu.memory_space<vmem>>) target_semaphore(%arg14 : memref<!tpu.dma_semaphore, #tpu.memory_space<semaphore_mem>>)
    %dma_wait3A_494 = arith.constant 0 : i32
    %dma_wait3A_495 = tpu.memref_slice %arg3[%add3A_457, %dma_wait3A_494] : memref<128x16384xi32, #tpu.memory_space<hbm>> -> memref<1x4096xi32, #tpu.memory_space<hbm>>
    %dma_wait3A_496 = tpu.memref_squeeze %dma_wait3A_495 : memref<1x4096xi32, #tpu.memory_space<hbm>> -> memref<4096xi32, #tpu.memory_space<hbm>>
    %dma_wait3A_497 = arith.constant 0 : i32
    %dma_wait3A_498 = tpu.memref_slice %arg3[%add3A_457, %dma_wait3A_497] : memref<128x16384xi32, #tpu.memory_space<hbm>> -> memref<1x4096xi32, #tpu.memory_space<hbm>>
    %dma_wait3A_499 = tpu.memref_squeeze %dma_wait3A_498 : memref<1x4096xi32, #tpu.memory_space<hbm>> -> memref<4096xi32, #tpu.memory_space<hbm>>
    tpu.wait_dma2 semaphore(%arg13 : memref<!tpu.dma_semaphore, #tpu.memory_space<semaphore_mem>>) src(%dma_wait3A_499 : memref<4096xi32, #tpu.memory_space<hbm>>) dst(%arg7 : memref<4096xi32, #tpu.memory_space<vmem>>)
    %dma_wait3A_500 = arith.constant 0 : i32
    %dma_wait3A_501 = tpu.memref_slice %arg4[%add3A_457, %dma_wait3A_500] : memref<128x16384xf32, #tpu.memory_space<hbm>> -> memref<1x4096xf32, #tpu.memory_space<hbm>>
    %dma_wait3A_502 = tpu.memref_squeeze %dma_wait3A_501 : memref<1x4096xf32, #tpu.memory_space<hbm>> -> memref<4096xf32, #tpu.memory_space<hbm>>
    %dma_wait3A_503 = arith.constant 0 : i32
    %dma_wait3A_504 = tpu.memref_slice %arg4[%add3A_457, %dma_wait3A_503] : memref<128x16384xf32, #tpu.memory_space<hbm>> -> memref<1x4096xf32, #tpu.memory_space<hbm>>
    %dma_wait3A_505 = tpu.memref_squeeze %dma_wait3A_504 : memref<1x4096xf32, #tpu.memory_space<hbm>> -> memref<4096xf32, #tpu.memory_space<hbm>>
    tpu.wait_dma2 semaphore(%arg13 : memref<!tpu.dma_semaphore, #tpu.memory_space<semaphore_mem>>) src(%dma_wait3A_505 : memref<4096xf32, #tpu.memory_space<hbm>>) dst(%arg9 : memref<4096xf32, #tpu.memory_space<vmem>>)
    %scan3A_506 = arith.constant 0 : i32
    %scan3A_507 = arith.constant 0 : i32
    %scan3A_508 = arith.constant 256 : i32
    %scan3A_509 = arith.addi %scan3A_507, %scan3A_508 : i32
    %scan3A_510 = arith.constant 1 : i32
    %scan3A_511 = scf.for %scan3A_606 = %scan3A_507 to %scan3A_509 step %scan3A_510 iter_args(%scan3A_607 = %scan3A_506) -> (i32)  : i32 {
      %mul3A_608 = arith.constant 16 : i32
      %mul3A_609 = arith.muli %scan3A_606, %mul3A_608 : i32
      %get3A = arith.index_cast %mul3A_609 : i32 to index
      %get3A_610 = tpu.vector_load %arg7[%get3A] {strides = array<i32>} : memref<4096xi32, #tpu.memory_space<vmem>>, vector<16xi32>,
      %mul3A_611 = arith.constant 16 : i32
      %mul3A_612 = arith.muli %scan3A_606, %mul3A_611 : i32
      %get3A_613 = arith.index_cast %mul3A_612 : i32 to index
      %get3A_614 = tpu.vector_load %arg9[%get3A_613] {strides = array<i32>} : memref<4096xf32, #tpu.memory_space<vmem>>, vector<16xf32>,
      tpu.vector_store_idx %arg6[%get3A_610], %get3A_614 : memref<100000xf32, #tpu.memory_space<vmem>>[vector<16xi32>], vector<16xf32>,
      %scan3A_615 = arith.constant 0 : i32
      scf.yield %scan3A_615 : i32
    }
    %scan3A_512 = arith.constant 256 : i32
    %dma_start3A_513 = arith.constant 8192 : i32
    %dma_start3A_514 = tpu.memref_slice %arg3[%add3A_457, %dma_start3A_513] : memref<128x16384xi32, #tpu.memory_space<hbm>> -> memref<1x4096xi32, #tpu.memory_space<hbm>>
    %dma_start3A_515 = tpu.memref_squeeze %dma_start3A_514 : memref<1x4096xi32, #tpu.memory_space<hbm>> -> memref<4096xi32, #tpu.memory_space<hbm>>
    %dma_start3A_516 = arith.constant 8192 : i32
    %dma_start3A_517 = tpu.memref_slice %arg3[%add3A_457, %dma_start3A_516] : memref<128x16384xi32, #tpu.memory_space<hbm>> -> memref<1x4096xi32, #tpu.memory_space<hbm>>
    %dma_start3A_518 = tpu.memref_squeeze %dma_start3A_517 : memref<1x4096xi32, #tpu.memory_space<hbm>> -> memref<4096xi32, #tpu.memory_space<hbm>>
    tpu.enqueue_dma source(%dma_start3A_518 : memref<4096xi32, #tpu.memory_space<hbm>>) target(%arg7 : memref<4096xi32, #tpu.memory_space<vmem>>) target_semaphore(%arg13 : memref<!tpu.dma_semaphore, #tpu.memory_space<semaphore_mem>>)
    %dma_start3A_519 = arith.constant 8192 : i32
    %dma_start3A_520 = tpu.memref_slice %arg4[%add3A_457, %dma_start3A_519] : memref<128x16384xf32, #tpu.memory_space<hbm>> -> memref<1x4096xf32, #tpu.memory_space<hbm>>
    %dma_start3A_521 = tpu.memref_squeeze %dma_start3A_520 : memref<1x4096xf32, #tpu.memory_space<hbm>> -> memref<4096xf32, #tpu.memory_space<hbm>>
    %dma_start3A_522 = arith.constant 8192 : i32
    %dma_start3A_523 = tpu.memref_slice %arg4[%add3A_457, %dma_start3A_522] : memref<128x16384xf32, #tpu.memory_space<hbm>> -> memref<1x4096xf32, #tpu.memory_space<hbm>>
    %dma_start3A_524 = tpu.memref_squeeze %dma_start3A_523 : memref<1x4096xf32, #tpu.memory_space<hbm>> -> memref<4096xf32, #tpu.memory_space<hbm>>
    tpu.enqueue_dma source(%dma_start3A_524 : memref<4096xf32, #tpu.memory_space<hbm>>) target(%arg9 : memref<4096xf32, #tpu.memory_space<vmem>>) target_semaphore(%arg13 : memref<!tpu.dma_semaphore, #tpu.memory_space<semaphore_mem>>)
    %dma_wait3A_525 = arith.constant 4096 : i32
    %dma_wait3A_526 = tpu.memref_slice %arg3[%add3A_457, %dma_wait3A_525] : memref<128x16384xi32, #tpu.memory_space<hbm>> -> memref<1x4096xi32, #tpu.memory_space<hbm>>
    %dma_wait3A_527 = tpu.memref_squeeze %dma_wait3A_526 : memref<1x4096xi32, #tpu.memory_space<hbm>> -> memref<4096xi32, #tpu.memory_space<hbm>>
    %dma_wait3A_528 = arith.constant 4096 : i32
    %dma_wait3A_529 = tpu.memref_slice %arg3[%add3A_457, %dma_wait3A_528] : memref<128x16384xi32, #tpu.memory_space<hbm>> -> memref<1x4096xi32, #tpu.memory_space<hbm>>
    %dma_wait3A_530 = tpu.memref_squeeze %dma_wait3A_529 : memref<1x4096xi32, #tpu.memory_space<hbm>> -> memref<4096xi32, #tpu.memory_space<hbm>>
    tpu.wait_dma2 semaphore(%arg14 : memref<!tpu.dma_semaphore, #tpu.memory_space<semaphore_mem>>) src(%dma_wait3A_530 : memref<4096xi32, #tpu.memory_space<hbm>>) dst(%arg8 : memref<4096xi32, #tpu.memory_space<vmem>>)
    %dma_wait3A_531 = arith.constant 4096 : i32
    %dma_wait3A_532 = tpu.memref_slice %arg4[%add3A_457, %dma_wait3A_531] : memref<128x16384xf32, #tpu.memory_space<hbm>> -> memref<1x4096xf32, #tpu.memory_space<hbm>>
    %dma_wait3A_533 = tpu.memref_squeeze %dma_wait3A_532 : memref<1x4096xf32, #tpu.memory_space<hbm>> -> memref<4096xf32, #tpu.memory_space<hbm>>
    %dma_wait3A_534 = arith.constant 4096 : i32
    %dma_wait3A_535 = tpu.memref_slice %arg4[%add3A_457, %dma_wait3A_534] : memref<128x16384xf32, #tpu.memory_space<hbm>> -> memref<1x4096xf32, #tpu.memory_space<hbm>>
    %dma_wait3A_536 = tpu.memref_squeeze %dma_wait3A_535 : memref<1x4096xf32, #tpu.memory_space<hbm>> -> memref<4096xf32, #tpu.memory_space<hbm>>
    tpu.wait_dma2 semaphore(%arg14 : memref<!tpu.dma_semaphore, #tpu.memory_space<semaphore_mem>>) src(%dma_wait3A_536 : memref<4096xf32, #tpu.memory_space<hbm>>) dst(%arg10 : memref<4096xf32, #tpu.memory_space<vmem>>)
    %scan3A_537 = arith.constant 0 : i32
    %scan3A_538 = arith.constant 0 : i32
    %scan3A_539 = arith.constant 256 : i32
    %scan3A_540 = arith.addi %scan3A_538, %scan3A_539 : i32
    %scan3A_541 = arith.constant 1 : i32
    %scan3A_542 = scf.for %scan3A_606 = %scan3A_538 to %scan3A_540 step %scan3A_541 iter_args(%scan3A_607 = %scan3A_537) -> (i32)  : i32 {
      %mul3A_608 = arith.constant 16 : i32
      %mul3A_609 = arith.muli %scan3A_606, %mul3A_608 : i32
      %get3A = arith.index_cast %mul3A_609 : i32 to index
      %get3A_610 = tpu.vector_load %arg8[%get3A] {strides = array<i32>} : memref<4096xi32, #tpu.memory_space<vmem>>, vector<16xi32>,
      %mul3A_611 = arith.constant 16 : i32
      %mul3A_612 = arith.muli %scan3A_606, %mul3A_611 : i32
      %get3A_613 = arith.index_cast %mul3A_612 : i32 to index
      %get3A_614 = tpu.vector_load %arg10[%get3A_613] {strides = array<i32>} : memref<4096xf32, #tpu.memory_space<vmem>>, vector<16xf32>,
      tpu.vector_store_idx %arg6[%get3A_610], %get3A_614 : memref<100000xf32, #tpu.memory_space<vmem>>[vector<16xi32>], vector<16xf32>,
      %scan3A_615 = arith.constant 0 : i32
      scf.yield %scan3A_615 : i32
    }
    %scan3A_543 = arith.constant 256 : i32
    %dma_start3A_544 = arith.constant 12288 : i32
    %dma_start3A_545 = tpu.memref_slice %arg3[%add3A_457, %dma_start3A_544] : memref<128x16384xi32, #tpu.memory_space<hbm>> -> memref<1x4096xi32, #tpu.memory_space<hbm>>
    %dma_start3A_546 = tpu.memref_squeeze %dma_start3A_545 : memref<1x4096xi32, #tpu.memory_space<hbm>> -> memref<4096xi32, #tpu.memory_space<hbm>>
    %dma_start3A_547 = arith.constant 12288 : i32
    %dma_start3A_548 = tpu.memref_slice %arg3[%add3A_457, %dma_start3A_547] : memref<128x16384xi32, #tpu.memory_space<hbm>> -> memref<1x4096xi32, #tpu.memory_space<hbm>>
    %dma_start3A_549 = tpu.memref_squeeze %dma_start3A_548 : memref<1x4096xi32, #tpu.memory_space<hbm>> -> memref<4096xi32, #tpu.memory_space<hbm>>
    tpu.enqueue_dma source(%dma_start3A_549 : memref<4096xi32, #tpu.memory_space<hbm>>) target(%arg8 : memref<4096xi32, #tpu.memory_space<vmem>>) target_semaphore(%arg14 : memref<!tpu.dma_semaphore, #tpu.memory_space<semaphore_mem>>)
    %dma_start3A_550 = arith.constant 12288 : i32
    %dma_start3A_551 = tpu.memref_slice %arg4[%add3A_457, %dma_start3A_550] : memref<128x16384xf32, #tpu.memory_space<hbm>> -> memref<1x4096xf32, #tpu.memory_space<hbm>>
    %dma_start3A_552 = tpu.memref_squeeze %dma_start3A_551 : memref<1x4096xf32, #tpu.memory_space<hbm>> -> memref<4096xf32, #tpu.memory_space<hbm>>
    %dma_start3A_553 = arith.constant 12288 : i32
    %dma_start3A_554 = tpu.memref_slice %arg4[%add3A_457, %dma_start3A_553] : memref<128x16384xf32, #tpu.memory_space<hbm>> -> memref<1x4096xf32, #tpu.memory_space<hbm>>
    %dma_start3A_555 = tpu.memref_squeeze %dma_start3A_554 : memref<1x4096xf32, #tpu.memory_space<hbm>> -> memref<4096xf32, #tpu.memory_space<hbm>>
    tpu.enqueue_dma source(%dma_start3A_555 : memref<4096xf32, #tpu.memory_space<hbm>>) target(%arg10 : memref<4096xf32, #tpu.memory_space<vmem>>) target_semaphore(%arg14 : memref<!tpu.dma_semaphore, #tpu.memory_space<semaphore_mem>>)
    %dma_wait3A_556 = arith.constant 8192 : i32
    %dma_wait3A_557 = tpu.memref_slice %arg3[%add3A_457, %dma_wait3A_556] : memref<128x16384xi32, #tpu.memory_space<hbm>> -> memref<1x4096xi32, #tpu.memory_space<hbm>>
    %dma_wait3A_558 = tpu.memref_squeeze %dma_wait3A_557 : memref<1x4096xi32, #tpu.memory_space<hbm>> -> memref<4096xi32, #tpu.memory_space<hbm>>
    %dma_wait3A_559 = arith.constant 8192 : i32
    %dma_wait3A_560 = tpu.memref_slice %arg3[%add3A_457, %dma_wait3A_559] : memref<128x16384xi32, #tpu.memory_space<hbm>> -> memref<1x4096xi32, #tpu.memory_space<hbm>>
    %dma_wait3A_561 = tpu.memref_squeeze %dma_wait3A_560 : memref<1x4096xi32, #tpu.memory_space<hbm>> -> memref<4096xi32, #tpu.memory_space<hbm>>
    tpu.wait_dma2 semaphore(%arg13 : memref<!tpu.dma_semaphore, #tpu.memory_space<semaphore_mem>>) src(%dma_wait3A_561 : memref<4096xi32, #tpu.memory_space<hbm>>) dst(%arg7 : memref<4096xi32, #tpu.memory_space<vmem>>)
    %dma_wait3A_562 = arith.constant 8192 : i32
    %dma_wait3A_563 = tpu.memref_slice %arg4[%add3A_457, %dma_wait3A_562] : memref<128x16384xf32, #tpu.memory_space<hbm>> -> memref<1x4096xf32, #tpu.memory_space<hbm>>
    %dma_wait3A_564 = tpu.memref_squeeze %dma_wait3A_563 : memref<1x4096xf32, #tpu.memory_space<hbm>> -> memref<4096xf32, #tpu.memory_space<hbm>>
    %dma_wait3A_565 = arith.constant 8192 : i32
    %dma_wait3A_566 = tpu.memref_slice %arg4[%add3A_457, %dma_wait3A_565] : memref<128x16384xf32, #tpu.memory_space<hbm>> -> memref<1x4096xf32, #tpu.memory_space<hbm>>
    %dma_wait3A_567 = tpu.memref_squeeze %dma_wait3A_566 : memref<1x4096xf32, #tpu.memory_space<hbm>> -> memref<4096xf32, #tpu.memory_space<hbm>>
    tpu.wait_dma2 semaphore(%arg13 : memref<!tpu.dma_semaphore, #tpu.memory_space<semaphore_mem>>) src(%dma_wait3A_567 : memref<4096xf32, #tpu.memory_space<hbm>>) dst(%arg9 : memref<4096xf32, #tpu.memory_space<vmem>>)
    %scan3A_568 = arith.constant 0 : i32
    %scan3A_569 = arith.constant 0 : i32
    %scan3A_570 = arith.constant 256 : i32
    %scan3A_571 = arith.addi %scan3A_569, %scan3A_570 : i32
    %scan3A_572 = arith.constant 1 : i32
    %scan3A_573 = scf.for %scan3A_606 = %scan3A_569 to %scan3A_571 step %scan3A_572 iter_args(%scan3A_607 = %scan3A_568) -> (i32)  : i32 {
      %mul3A_608 = arith.constant 16 : i32
      %mul3A_609 = arith.muli %scan3A_606, %mul3A_608 : i32
      %get3A = arith.index_cast %mul3A_609 : i32 to index
      %get3A_610 = tpu.vector_load %arg7[%get3A] {strides = array<i32>} : memref<4096xi32, #tpu.memory_space<vmem>>, vector<16xi32>,
      %mul3A_611 = arith.constant 16 : i32
      %mul3A_612 = arith.muli %scan3A_606, %mul3A_611 : i32
      %get3A_613 = arith.index_cast %mul3A_612 : i32 to index
      %get3A_614 = tpu.vector_load %arg9[%get3A_613] {strides = array<i32>} : memref<4096xf32, #tpu.memory_space<vmem>>, vector<16xf32>,
      tpu.vector_store_idx %arg6[%get3A_610], %get3A_614 : memref<100000xf32, #tpu.memory_space<vmem>>[vector<16xi32>], vector<16xf32>,
      %scan3A_615 = arith.constant 0 : i32
      scf.yield %scan3A_615 : i32
    }
    %scan3A_574 = arith.constant 256 : i32
    %dma_wait3A_575 = arith.constant 12288 : i32
    %dma_wait3A_576 = tpu.memref_slice %arg3[%add3A_457, %dma_wait3A_575] : memref<128x16384xi32, #tpu.memory_space<hbm>> -> memref<1x4096xi32, #tpu.memory_space<hbm>>
    %dma_wait3A_577 = tpu.memref_squeeze %dma_wait3A_576 : memref<1x4096xi32, #tpu.memory_space<hbm>> -> memref<4096xi32, #tpu.memory_space<hbm>>
    %dma_wait3A_578 = arith.constant 12288 : i32
    %dma_wait3A_579 = tpu.memref_slice %arg3[%add3A_457, %dma_wait3A_578] : memref<128x16384xi32, #tpu.memory_space<hbm>> -> memref<1x4096xi32, #tpu.memory_space<hbm>>
    %dma_wait3A_580 = tpu.memref_squeeze %dma_wait3A_579 : memref<1x4096xi32, #tpu.memory_space<hbm>> -> memref<4096xi32, #tpu.memory_space<hbm>>
    tpu.wait_dma2 semaphore(%arg14 : memref<!tpu.dma_semaphore, #tpu.memory_space<semaphore_mem>>) src(%dma_wait3A_580 : memref<4096xi32, #tpu.memory_space<hbm>>) dst(%arg8 : memref<4096xi32, #tpu.memory_space<vmem>>)
    %dma_wait3A_581 = arith.constant 12288 : i32
    %dma_wait3A_582 = tpu.memref_slice %arg4[%add3A_457, %dma_wait3A_581] : memref<128x16384xf32, #tpu.memory_space<hbm>> -> memref<1x4096xf32, #tpu.memory_space<hbm>>
    %dma_wait3A_583 = tpu.memref_squeeze %dma_wait3A_582 : memref<1x4096xf32, #tpu.memory_space<hbm>> -> memref<4096xf32, #tpu.memory_space<hbm>>
    %dma_wait3A_584 = arith.constant 12288 : i32
    %dma_wait3A_585 = tpu.memref_slice %arg4[%add3A_457, %dma_wait3A_584] : memref<128x16384xf32, #tpu.memory_space<hbm>> -> memref<1x4096xf32, #tpu.memory_space<hbm>>
    %dma_wait3A_586 = tpu.memref_squeeze %dma_wait3A_585 : memref<1x4096xf32, #tpu.memory_space<hbm>> -> memref<4096xf32, #tpu.memory_space<hbm>>
    tpu.wait_dma2 semaphore(%arg14 : memref<!tpu.dma_semaphore, #tpu.memory_space<semaphore_mem>>) src(%dma_wait3A_586 : memref<4096xf32, #tpu.memory_space<hbm>>) dst(%arg10 : memref<4096xf32, #tpu.memory_space<vmem>>)
    %scan3A_587 = arith.constant 0 : i32
    %scan3A_588 = arith.constant 0 : i32
    %scan3A_589 = arith.constant 256 : i32
    %scan3A_590 = arith.addi %scan3A_588, %scan3A_589 : i32
    %scan3A_591 = arith.constant 1 : i32
    %scan3A_592 = scf.for %scan3A_606 = %scan3A_588 to %scan3A_590 step %scan3A_591 iter_args(%scan3A_607 = %scan3A_587) -> (i32)  : i32 {
      %mul3A_608 = arith.constant 16 : i32
      %mul3A_609 = arith.muli %scan3A_606, %mul3A_608 : i32
      %get3A = arith.index_cast %mul3A_609 : i32 to index
      %get3A_610 = tpu.vector_load %arg8[%get3A] {strides = array<i32>} : memref<4096xi32, #tpu.memory_space<vmem>>, vector<16xi32>,
      %mul3A_611 = arith.constant 16 : i32
      %mul3A_612 = arith.muli %scan3A_606, %mul3A_611 : i32
      %get3A_613 = arith.index_cast %mul3A_612 : i32 to index
      %get3A_614 = tpu.vector_load %arg10[%get3A_613] {strides = array<i32>} : memref<4096xf32, #tpu.memory_space<vmem>>, vector<16xf32>,
      tpu.vector_store_idx %arg6[%get3A_610], %get3A_614 : memref<100000xf32, #tpu.memory_space<vmem>>[vector<16xi32>], vector<16xf32>,
      %scan3A_615 = arith.constant 0 : i32
      scf.yield %scan3A_615 : i32
    }
    %scan3A_593 = arith.constant 256 : i32
    %dma_start3A_594 = arith.constant 0 : i32
    %dma_start3A_595 = tpu.memref_slice %arg5[%add3A_457, %dma_start3A_594] : memref<128x100000xf32, #tpu.memory_space<hbm>> -> memref<1x100000xf32, #tpu.memory_space<hbm>>
    %dma_start3A_596 = tpu.memref_squeeze %dma_start3A_595 : memref<1x100000xf32, #tpu.memory_space<hbm>> -> memref<100000xf32, #tpu.memory_space<hbm>>
    %dma_start3A_597 = arith.constant 0 : i32
    %dma_start3A_598 = tpu.memref_slice %arg5[%add3A_457, %dma_start3A_597] : memref<128x100000xf32, #tpu.memory_space<hbm>> -> memref<1x100000xf32, #tpu.memory_space<hbm>>
    %dma_start3A_599 = tpu.memref_squeeze %dma_start3A_598 : memref<1x100000xf32, #tpu.memory_space<hbm>> -> memref<100000xf32, #tpu.memory_space<hbm>>
    tpu.enqueue_dma source(%arg6 : memref<100000xf32, #tpu.memory_space<vmem>>) target(%dma_start3A_599 : memref<100000xf32, #tpu.memory_space<hbm>>) target_semaphore(%arg12 : memref<!tpu.dma_semaphore, #tpu.memory_space<semaphore_mem>>)
    %dma_wait3A_600 = arith.constant 0 : i32
    %dma_wait3A_601 = tpu.memref_slice %arg5[%add3A_457, %dma_wait3A_600] : memref<128x100000xf32, #tpu.memory_space<hbm>> -> memref<1x100000xf32, #tpu.memory_space<hbm>>
    %dma_wait3A_602 = tpu.memref_squeeze %dma_wait3A_601 : memref<1x100000xf32, #tpu.memory_space<hbm>> -> memref<100000xf32, #tpu.memory_space<hbm>>
    %dma_wait3A_603 = arith.constant 0 : i32
    %dma_wait3A_604 = tpu.memref_slice %arg5[%add3A_457, %dma_wait3A_603] : memref<128x100000xf32, #tpu.memory_space<hbm>> -> memref<1x100000xf32, #tpu.memory_space<hbm>>
    %dma_wait3A_605 = tpu.memref_squeeze %dma_wait3A_604 : memref<1x100000xf32, #tpu.memory_space<hbm>> -> memref<100000xf32, #tpu.memory_space<hbm>>
    tpu.wait_dma2 semaphore(%arg12 : memref<!tpu.dma_semaphore, #tpu.memory_space<semaphore_mem>>) src(%arg6 : memref<100000xf32, #tpu.memory_space<vmem>>) dst(%dma_wait3A_605 : memref<100000xf32, #tpu.memory_space<hbm>>)
    return
  }
}

</mosaic_0001>

<sc_bundles>
// kernel: scatter_overwrite_sc.3.cloned.1.call-start
scs
__scs_entry_jumppad:
0x0: {  	(pc) =	sbr.rel $0x88, $3  }
0x1: {  	(tag) =	ssettag $0x0;
	lr =	simm.s32 $0x1  }
0x2: {  	[smem:$0x3F9E] =	sst lr;
	_ =	strace $0xD0000000  }
0x3: {  	_ = 	snop  }
0x4: {  	_ = 	snop  }
0x5: {  	_ = 	snop  }
0x6: {  	_ = 	snop  }
0x7: {  	_ = 	snop  }
__scs_overlays_trampoline_lowered:
0x8: {  	[smem:$0x3FAD] =	sst s0  }
0x9: {  	[smem:$0x3FAE] =	sst s1  }
0xa: {  	[smem:$0x3FAF] =	sst s2  }
0xb: {  	[smem:$0x3FB0] =	sst s3  }
0xc: {  	[smem:$0x3FB1] =	sst s4  }
0xd: {  	[smem:$0x3FB2] =	sst s5  }
0xe: {  	[smem:$0x3FB3] =	sst s6  }
0xf: {  	[smem:$0x3FB4] =	sst s7  }
0x10: {  	[smem:$0x3FB5] =	sst s8  }
0x11: {  	[smem:$0x3FB6] =	sst s9;
	s0 =	simm.s32 @!p0 $0x0  }
0x12: {  	s1 =	sld [smem:$0x3F9C];
	s0 =	simm.s32 @p0 $0x1  }
0x13: {  	[smem:$0x3FB7] =	sst s0;
	s0 =	simm.s32 @!p1 $0x0  }
0x14: {  	s2 =	sld [smem:$0x3F9B];
	s0 =	simm.s32 @p1 $0x1  }
0x15: {  	[smem:$0x3FB8] =	sst s0;
	s0 =	simm.s32 @!p2 $0x0  }
0x16: {  	s3 =	sld [smem:$0x3FDB];
	s0 =	simm.s32 @p2 $0x1  }
0x17: {  	s4 =	simm.s32 $0x1BF5;
	[smem:$0x3FBA] =	sst s0  }
0x18: {  	s0 =	sld [smem:$0x3F9D];
	_ =	swait.ge [sflag:s4], $0x0  }
0x19: {  	s7 =	sld [smem:$0x3F9E]  }
0x1a: {  	s8 =	sadd.s32 $0xFFFFE003, lr  }
0x1b: {  	s9 =	sadd.s32 $0xFFFFFEF7, lr;
	s5 =	simm.s32 $0xFFFFFFFF;
	p2 =	slt.u32 s8, $0xFFFFF086  }
0x1c: {  	p1 =	slt.u32 s9, $0xF7A;
	s5 =	simm.s32 @!p2 $0x0  }
0x1d: {  	s5 =	simm.s32 @p1 $0x1;
	p0 =	seq.s32 s7, s2  }
0x1e: {  	s7 =	smul.u32 @!p0 $0xF7A, s2;
	p2 =	seq.s32 @!p0 s5, $0x0  }
0x1f: {  	s9 =	smul.u32 $0xF7A, s1;
	s8 =	simm.s32 @!p0 $0x1BF5;
	p2 =	por !p2, p0  }
0x20: {  	[sflag:s8] =	ssyncset.s32 @!p0 $0xFFFFF086;
	s6 =	sadd.s32 @!p0 s3, s7;
	s7 =	simm.s32 @!p0 $0x108  }
0x21: {  	s3 =	sadd.s32 s3, s9;
	s6 =	sadd.s32 @!p0 $0x88, s6;
	s7 =	simm.s32 @p2 $0x1082  }
0x22: {  	[simem:s7], [sflag:s8] =	dma.local @!p0 [hbm:s6], $0xF7A  }
0x23: {  	s9 =	sor.u32 $0xD0000000, s2;
	s6 =	simm.s32 $0x108;
	_ =	swait.ge @!p0 [sflag:s8], $0x0  }
0x24: {  	s3 =	sadd.s32 $0x88, s3;
	s6 =	simm.s32 @!p1 $0x1082;
	[sflag:s4] =	ssyncset.s32 $0xFFFFF086  }
0x25: {  	[simem:s6], [sflag:s4] =	dma.local [hbm:s3], $0xF7A  }
0x26: {  	[smem:$0x3F9E] =	sst s1;
	(tag) =	ssettag s2;
	_ =	strace s9  }
0x27: {  	s1 =	sld [smem:$0x3FAE]  }
0x28: {  	s2 =	sld [smem:$0x3FAF]  }
0x29: {  	s4 =	sld [smem:$0x3FB1]  }
0x2a: {  	p0 =	seq.s32 s5, $0x0;
	s5 =	sld [smem:$0x3FB2]  }
0x2b: {  	s6 =	sld [smem:$0x3FB3]  }
0x2c: {  	s7 =	sld [smem:$0x3FB4]  }
0x2d: {  	s3 =	simm.s32 $0x108;
	s8 =	sld [smem:$0x3FB5]  }
0x2e: {  	s3 =	simm.s32 @!p0 $0x1082;
	s9 =	sld [smem:$0x3FB6]  }
0x2f: {  	lr =	sadd.s32 s0, s3;
	s0 =	sld [smem:$0x3FAD]  }
0x30: {  	s3 =	sld [smem:$0x3FB0]  }
0x31: {  	[smem:$0x3FB9] =	sst s10  }
0x32: {  	s10 =	sld [smem:$0x3FB7];
	_ =	sdelay $0x3  }
0x33: {  	p0 =	seq.s32 s10, $0x1;
	s10 =	sld [smem:$0x3FB9];
	_ =	sdelay $0x3  }
0x34: {  	[smem:$0x3FB9] =	sst s10  }
0x35: {  	s10 =	sld [smem:$0x3FB8];
	_ =	sdelay $0x3  }
0x36: {  	p1 =	seq.s32 s10, $0x1;
	s10 =	sld [smem:$0x3FB9];
	_ =	sdelay $0x3  }
0x37: {  	[smem:$0x3FB9] =	sst s10  }
0x38: {  	s10 =	sld [smem:$0x3FBA]  }
0x39: {  	_ = 	snop;
	(pc) =	sbr.ind lr, $3  }
0x3a: {  	_ = 	snop  }
0x3b: {  	_ = 	snop  }
0x3c: {  	p2 =	seq.s32 s10, $0x1;
	s10 =	sld [smem:$0x3FB9]  }
0x3d: {  	_ =	shalt  }
0x3e: {  	_ =	shalt  }
0x3f: {  	_ =	shalt  }
0x40: {  	_ =	shalt  }
0x41: {  	_ =	shalt  }
0x42: {  	_ =	shalt  }
0x43: {  	_ =	shalt  }
0x44: {  	_ =	shalt  }
0x45: {  	_ =	shalt  }
0x46: {  	_ =	shalt  }
0x47: {  	_ =	shalt  }
0x48: {  	_ =	shalt  }
0x49: {  	_ =	shalt  }
0x4a: {  	_ =	shalt  }
0x4b: {  	_ =	shalt  }
0x4c: {  	_ =	shalt  }
0x4d: {  	_ =	shalt  }
0x4e: {  	_ =	shalt  }
0x4f: {  	_ =	shalt  }
0x50: {  	_ =	shalt  }
0x51: {  	_ =	shalt  }
0x52: {  	_ =	shalt  }
0x53: {  	_ =	shalt  }
0x54: {  	_ =	shalt  }
0x55: {  	_ =	shalt  }
0x56: {  	_ =	shalt  }
0x57: {  	_ =	shalt  }
0x58: {  	_ =	shalt  }
0x59: {  	_ =	shalt  }
0x5a: {  	_ =	shalt  }
0x5b: {  	_ =	shalt  }
0x5c: {  	_ =	shalt  }
0x5d: {  	_ =	shalt  }
0x5e: {  	_ =	shalt  }
0x5f: {  	_ =	shalt  }
0x60: {  	_ =	shalt  }
0x61: {  	_ =	shalt  }
0x62: {  	_ =	shalt  }
0x63: {  	_ =	shalt  }
0x64: {  	_ =	shalt  }
0x65: {  	_ =	shalt  }
0x66: {  	_ =	shalt  }
0x67: {  	_ =	shalt  }
0x68: {  	_ =	shalt  }
0x69: {  	_ =	shalt  }
0x6a: {  	_ =	shalt  }
0x6b: {  	_ =	shalt  }
0x6c: {  	_ =	shalt  }
0x6d: {  	_ =	shalt  }
0x6e: {  	_ =	shalt  }
0x6f: {  	_ =	shalt  }
0x70: {  	_ =	shalt  }
0x71: {  	_ =	shalt  }
0x72: {  	_ =	shalt  }
0x73: {  	_ =	shalt  }
0x74: {  	_ =	shalt  }
0x75: {  	_ =	shalt  }
0x76: {  	_ =	shalt  }
0x77: {  	_ =	shalt  }
0x78: {  	_ =	shalt  }
0x79: {  	_ =	shalt  }
0x7a: {  	_ =	shalt  }
0x7b: {  	_ =	shalt  }
0x7c: {  	_ =	shalt  }
0x7d: {  	_ =	shalt  }
0x7e: {  	_ =	shalt  }
0x7f: {  	_ =	shalt  }
0x80: {  	_ =	shalt  }
0x81: {  	_ =	shalt  }
0x82: {  	_ =	shalt  }
0x83: {  	_ =	shalt  }
0x84: {  	_ =	shalt  }
0x85: {  	_ =	shalt  }
0x86: {  	_ =	shalt  }
0x87: {  	_ =	shalt  }
.Lfunc_end0:
.L_simem_size_0:
called_computation_lowered:
.L_overlay_start_0:
0x88: {  	s2 =	sld [smem:$0x3FD9]  }
0x89: {  	s3 =	sld [smem:$0x3FFE];
	_ =	sdelay $0x1  }
0x8a: {  	s1 =	srdreg.scid  }
0x8b: {  	s0 =	sand.u32 $0x1, s1  }
0x8c: {  	s17 =	sshll.u32 s0, $0xA;
	s2 =	sadd.s32 s3, s2  }
0x8d: {  	s2 =	sadd.s32 s2, s17  }
0x8e: {  	[smem:$0x3FC5] =	sst s2  }
0x8f: {  	_ = 	snop  }
0x90: {  	s2 =	sld [smem:$0x3FC8]  }
0x91: {  	s18 =	sld [smem:$0x3FC7];
	(tm) =	ssettm $0x1  }
0x92: {  	s4 =	sld [smem:$0x3FFB];
	_ =	sdelay $0x3  }
0x93: {  	_ =	strace s4  }
0x94: {  	s4 =	sld [smem:$0x3FFC];
	_ =	sdelay $0x3  }
0x95: {  	_ =	strace s4  }
0x96: {  	s4 =	sld [smem:$0x3FFD];
	_ =	sdelay $0x3  }
0x97: {  	_ =	strace s4  }
0x98: {  	_ =	strace $0x8FFFFFFF  }
0x99: {  	s19 =	sld [smem:$0x3FDB];
	_ =	sdelay $0x1  }
0x9a: {  	s5 =	simm.s32 $_scs_section_size  }
0x9b: {  	s6 =	simm.s32 $_size__tile_overlayer_lowered;
	s7 =	simm.s32 $_tile_overlayer_lowered  }
0x9c: {  	s22 =	simm.s32 $0x1BFF;
	s21 =	sshll.u32 s7, $0x1;
	s4 =	sadd.s32 s5, s19  }
0x9d: {  	s8 =	simm.s32 $0x0;
	s20 =	sshll.u32 s6, $0x1;
	s6 =	sadd.s32 s21, s4  }
0x9e: {  	[timem:s8], [sflag:s22] =	dma.local [hbm:s6], s20  }
0x9f: {  	_ =	swait.ge [sflag:s22], s20  }
0xa0: {  	s5 =	ssub.s32 $0x0, s20;
	[sflag:s22] =	ssyncset.done $0x0  }
0xa1: {  	[sflag:s22] =	ssyncadd.s32 s5;
	_ =	sdelay $0x1  }
0xa2: {  	s23 =	simm.s32 $0x1B8B  }
0xa3: {  	_ =	swait.ge [sflag:s23], $0x1  }
0xa4: {  	[sflag:s23] =	ssyncset.done $0x0  }
0xa5: {  	s25 =	simm.s32 $0x1B8E;
	s24 =	sld [smem:$0x3FFE];
	[sflag:s23] =	ssyncadd.s32 $0xFFFFFFFF  }
0xa6: {  	s26 =	simm.s32 $execute0_lowered;
	[smem:$0x3FD2] =	sst s25  }
0xa7: {  	s6 =	sshll.u32 s26, $0x1;
	_ =	strace $0x80000046;
	[dreg:$0x1] =	wrdreg $0xFFFFFFFF  }
0xa8: {  	s28 =	simm.s32 $_size_execute0_lowered;
	s4 =	sadd.s32 s4, s6;
	[dreg:$0x0] =	wrdreg $0x0  }
0xa9: {  	s6 =	sshll.u32 s28, $0x1;
	[dreg:$0x2] =	wrdreg s4  }
0xaa: {  	[dreg:$0x3] =	wrdreg s6  }
0xab: {  	[dreg:$0x4] =	wrdreg $0xC0  }
0xac: {  	_ =	task [dreg:s8], $0x5FFFF  }
0xad: {  	[dreg:$0x1] =	wrdreg $0xFFFFFFFF  }
0xae: {  	[dreg:$0x0] =	wrdreg $0x60  }
0xaf: {  	[dreg:$0x2] =	wrdreg s24  }
0xb0: {  	[dreg:$0x3] =	wrdreg s2  }
0xb1: {  	[dreg:$0x4] =	wrdreg s18  }
0xb2: {  	[dreg:$0x5] =	wrdreg $0x9  }
0xb3: {  	_ =	task.clear_ibuf [dreg:s8], $0x6FFFF;
	_ =	strace $0x90000046  }
0xb4: {  	s29 =	simm.s32 $0x9;
	_ =	strace $0x80000048  }
0xb5: {  	_ =	swait.ge [sflag:s29], $0x1  }
0xb6: {  	[sflag:s29] =	ssyncadd.s32 $0xFFFFFFFF  }
0xb7: {  	_ =	strace $0x90000048  }
0xb8: {  	_ =	sfence  }
0xb9: {  	s30 =	sld [smem:$0x0];
	_ =	sdelay $0x2  }
0xba: {  	s31 =	sshll.u32 s1, $0xD;
	s1 =	sshrl.u32 s1, $0x2  }
0xbb: {  	s3 =	sand.u32 $0x4000, s31;
	s1 =	sadd.s32 s1, s30  }
0xbc: {  	s0 =	sor.u32 s3, s0;
	s1 =	sshll.u32 s1, $0x11  }
0xbd: {  	s0 =	sor.u32 s1, s0  }
0xbe: {  	s0 =	sadd.s32 $0x8F2B, s0  }
0xbf: {  	[sflag:s0] =	ssyncadd.remote.s32 $0x1  }
0xc0: {  	_ =	sfence.sel $0xFFFF  }
0xc1: {  	[dreg:$0x0] =	wrdreg $0xFFFFFFFF;
	(pc) =	sbr.abs _section_cstart, $3  }
0xc2: {  	[dreg:$0x1] =	wrdreg $0xFFFFFFFF  }
0xc3: {  	_ =	task.clear_ibuf [dreg:s8], $0x2FFFF;
	_ =	strace $0x9FFFFFFF  }
0xc4: {  	(tm) =	ssettm $0x7FFFFFFF  }
0xc5: {  	_ =	shalt  }
tec
execute0_lowered:
.L_overlay_start_1:
0x0: {  	(tag) =	ssettag $0x1  }
0x1: {  	s0 =	srdreg.scid  }
0x2: {  	s4 =	stileid.u32;
	s5 =	rddreg [dreg:$0x2];
	s1 =	sand.u32 $0x1, s0  }
0x3: {  	s0 =	rddreg [dreg:$0x1];
	s3 =	smul.u32 $0xC3800, s4;
	s2 =	ssub.s32 $0x2, s1  }
0x4: {  	s4 =	sshll.u32 s4, $0x11;
	s1 =	sshll.u32 s1, $0x9;
	s6 =	sshrl.u32 s2, $0x1  }
0x5: {  	s7 =	sor.u32 s1, s4;
	s15 =	sor.u32 $0x80, s1;
	s23 =	sor.u32 $0x100, s1  }
0x6: {  	s11 =	ssub.s32 s2, s6;
	s2 =	sor.u32 s1, s3;
	s9 =	sshrl.u32 s7, $0x3  }
0x7: {  	s17 =	sor.u32 s4, s15;
	s24 =	sor.u32 s4, s23;
	s7 =	sadd.s32 s0, s9  }
0x8: {  	s10 =	sadd.s32 s5, s9;
	s12 =	sor.u32 $0x1000, s9;
	[dreg:$0x4] =	wrdreg s7  }
0x9: {  	s1 =	sor.u32 $0x180, s1;
	[dreg:$0x5] =	wrdreg s10;
	s8 =	sadd.s32 s0, s12  }
0xa: {  	s13 =	sor.u32 $0x2000, s9;
	s7 =	sadd.s32 s5, s12;
	[dreg:$0x6] =	wrdreg s8  }
0xb: {  	s6 =	sor.u32 $0x3000, s9;
	s14 =	sadd.s32 s0, s13;
	[dreg:$0x7] =	wrdreg s7  }
0xc: {  	s11 =	smax.u32 s11, $0x1;
	s16 =	sadd.s32 s0, s6;
	[dreg:$0x8] =	wrdreg s14  }
0xd: {  	s6 =	sadd.s32 s5, s6;
	s10 =	sor.u32 s3, s1;
	[dreg:$0xa] =	wrdreg s16  }
0xe: {  	s1 =	sor.u32 s4, s1;
	s7 =	sadd.s32 s5, s13;
	[dreg:$0xb] =	wrdreg s6  }
0xf: {  	s6 =	sor.u32 s3, s15;
	[dreg:$0x9] =	wrdreg s7;
	s7 =	sshrl.u32 s17, $0x3  }
0x10: {  	s1 =	sshrl.u32 s1, $0x3;
	s10 =	sshrl.u32 s10, $0x3;
	s18 =	sadd.s32 s0, s7  }
0x11: {  	s19 =	sadd.s32 s5, s7;
	s20 =	sor.u32 $0x1000, s7;
	[dreg:$0xc] =	wrdreg s18  }
0x12: {  	s30 =	sadd.s32 s0, s1;
	[dreg:$0xd] =	wrdreg s19;
	s9 =	sadd.s32 s0, s20  }
0x13: {  	s21 =	sor.u32 $0x2000, s7;
	s8 =	sadd.s32 s5, s20;
	[dreg:$0xe] =	wrdreg s9  }
0x14: {  	s7 =	sor.u32 $0x3000, s7;
	s22 =	sadd.s32 s0, s21;
	[dreg:$0xf] =	wrdreg s8  }
0x15: {  	s31 =	sadd.s32 s5, s1;
	s25 =	sadd.s32 s0, s7;
	[dreg:$0x10] =	wrdreg s22  }
0x16: {  	s6 =	sshrl.u32 s6, $0x3;
	s12 =	sadd.s32 s5, s7;
	[dreg:$0x12] =	wrdreg s25  }
0x17: {  	s20 =	sor.u32 $0x1000, s1;
	s8 =	sadd.s32 s5, s21;
	[dreg:$0x13] =	wrdreg s12  }
0x18: {  	s9 =	sshrl.u32 s24, $0x3;
	s25 =	sadd.s32 s0, s20;
	s22 =	rddreg [dreg:$0x0]  }
0x19: {  	s21 =	sor.u32 $0x2000, s1;
	s1 =	sor.u32 $0x3000, s1;
	[dreg:$0x11] =	wrdreg s8  }
0x1a: {  	s8 =	sor.u32 s3, s23;
	s26 =	sor.u32 $0x1000, s9;
	s14 =	sadd.s32 s0, s9  }
0x1b: {  	s15 =	sadd.s32 s5, s9;
	s16 =	sor.u32 $0x2000, s9;
	s17 =	sor.u32 $0x3000, s9  }
0x1c: {  	s28 =	sadd.s32 s0, s21;
	s29 =	sadd.s32 s5, s21;
	s23 =	sshrl.u32 s2, $0x3  }
0x1d: {  	s2 =	simm.s32 $0x0;
	s24 =	sadd.s32 $0x400, s22;
	s12 =	sadd.s32 $0x187400, s22  }
0x1e: {  	s21 =	simm.s32 $0x2;
	s22 =	simm.s32 $0x0;
	[dreg:$0x16] =	wrdreg s14  }
0x1f: {  	s13 =	sadd.s32 s0, s26;
	s3 =	sadd.s32 s5, s26;
	[dreg:$0x17] =	wrdreg s15  }
0x20: {  	s18 =	sadd.s32 s0, s16;
	s19 =	sadd.s32 s0, s17;
	s4 =	sadd.s32 s5, s17  }
0x21: {  	s26 =	sadd.s32 s5, s20;
	s0 =	sadd.s32 s0, s1;
	[smem:$0x7FF] =	sst s2  }
0x22: {  	s1 =	sadd.s32 s5, s1;
	s8 =	sshrl.u32 s8, $0x3;
	[dreg:$0x14] =	wrdreg s13  }
0x23: {  	s9 =	sadd.s32 s24, s10;
	s10 =	sadd.s32 s12, s10;
	[dreg:$0x15] =	wrdreg s3  }
0x24: {  	s14 =	simm.s32 $0x18700;
	s15 =	simm.s32 $0x1A700;
	[dreg:$0x18] =	wrdreg s18  }
0x25: {  	s17 =	simm.s32 $0x19700;
	s20 =	simm.s32 $0x4;
	[dreg:$0x1a] =	wrdreg s19  }
0x26: {  	s3 =	sadd.s32 s5, s16;
	[dreg:$0x1b] =	wrdreg s4;
	s4 =	sadd.s32 s12, s23  }
0x27: {  	s5 =	sadd.s32 s24, s6;
	s6 =	sadd.s32 s12, s6;
	s7 =	sadd.s32 s24, s8  }
0x28: {  	s8 =	sadd.s32 s12, s8;
	s12 =	simm.s32 $0x80;
	s13 =	simm.s32 $0x400  }
0x29: {  	s16 =	simm.s32 $0x1;
	s18 =	simm.s32 $0x1B700;
	[dreg:$0x19] =	wrdreg s3  }
0x2a: {  	s19 =	simm.s32 $0x3;
	s3 =	sadd.s32 s24, s23;
	_ =	strace $0x80000047  }
.LBB2_1:
0x2b: {  	[tilespmem:s2], [sflag:$0x1] =	stream.strided.gather [hbm4b:s3+s12], $0x18700, s13, s12, $0x38;
	[tilespmem:$0x1C700] =	vst v63  }
0x2c: {  	s23 =	rddreg [dreg:$0x4]  }
0x2d: {  	[tilespmem:s14], [sflag:$0x3] =	stream.strided.gather [hbm4b:s23+s12], $0x1000, s13, s12, $0x38;
	[tilespmem:$0x1C700] =	vst v63  }
0x2e: {  	s24 =	rddreg [dreg:$0x5]  }
0x2f: {  	[tilespmem:s15], [sflag:$0x3] =	stream.strided.gather [hbm4b:s24+s12], $0x1000, s13, s12, $0x38;
	[tilespmem:$0x1C700] =	vst v63  }
0x30: {  	_ =	swait.ge [sflag:s16], $0x18700  }
0x31: {  	[sflag:s16] =	ssyncset.done $0x0  }
0x32: {  	s24 =	rddreg [dreg:$0x6];
	[sflag:s16] =	ssyncadd.s32 $0xFFFE7900  }
0x33: {  	[tilespmem:s17], [sflag:$0x4] =	stream.strided.gather [hbm4b:s24+s12], $0x1000, s13, s12, $0x38;
	[tilespmem:$0x1C700] =	vst v63  }
0x34: {  	s24 =	rddreg [dreg:$0x7]  }
0x35: {  	[tilespmem:s18], [sflag:$0x4] =	stream.strided.gather [hbm4b:s24+s12], $0x1000, s13, s12, $0x38;
	[tilespmem:$0x1C700] =	vst v63  }
0x36: {  	_ =	swait.ge [sflag:s19], $0x1000  }
0x37: {  	[sflag:s19] =	ssyncset.done $0x0  }
0x38: {  	[sflag:s19] =	ssyncadd.s32 $0xFFFFF000  }
0x39: {  	_ =	swait.ge [sflag:s19], $0x1000  }
0x3a: {  	[sflag:s19] =	ssyncset.done $0x0  }
0x3b: {  	s23 =	simm.s32 $0x40;
	s24 =	simm.s32 $0x0;
	[sflag:s19] =	ssyncadd.s32 $0xFFFFF000  }
.LBB2_2:
0x3c: {  	p0 =	sne.s32 s23, $0x3FC0;
	v0 =	vld [tilespmem:s24+$0x18700];
	_ =	sdelay $0x2  }
0x3d: {  	v1 =	vld [tilespmem:s24+$0x1A700]  }
.Ltmp0:
0x3e: {  	(pc) =	sbr.rel @p0 .LBB2_2-.Ltmp0, $2  }
0x3f: {  	_ =	sdelay $0x2  }
0x40: {  	s24 =	sshra.s32 s23, $0x2;
	s23 =	sadd.s32 $0x40, s23;
	[tilespmem:v0+s2+$0x0] =	vst.idx.msk $0xffff, v1  }
0x41: {  	v0 =	vld [tilespmem:s24+$0x18700];
	_ =	sdelay $0x2  }
0x42: {  	v1 =	vld [tilespmem:s24+$0x1A700];
	_ =	sdelay $0x4  }
0x43: {  	s23 =	rddreg [dreg:$0x8];
	[tilespmem:v0+s2+$0x0] =	vst.idx.msk $0xffff, v1  }
0x44: {  	[tilespmem:s14], [sflag:$0x3] =	stream.strided.gather [hbm4b:s23+s12], $0x1000, s13, s12, $0x38;
	[tilespmem:$0x1C700] =	vst v63  }
0x45: {  	s24 =	rddreg [dreg:$0x9]  }
0x46: {  	[tilespmem:s15], [sflag:$0x3] =	stream.strided.gather [hbm4b:s24+s12], $0x1000, s13, s12, $0x38;
	[tilespmem:$0x1C700] =	vst v63  }
0x47: {  	_ =	swait.ge [sflag:s20], $0x1000  }
0x48: {  	[sflag:s20] =	ssyncset.done $0x0  }
0x49: {  	[sflag:s20] =	ssyncadd.s32 $0xFFFFF000  }
0x4a: {  	_ =	swait.ge [sflag:s20], $0x1000  }
0x4b: {  	[sflag:s20] =	ssyncset.done $0x0  }
0x4c: {  	s23 =	simm.s32 $0x40;
	s24 =	simm.s32 $0x0;
	[sflag:s20] =	ssyncadd.s32 $0xFFFFF000  }
.LBB2_4:
0x4d: {  	p0 =	sne.s32 s23, $0x3FC0;
	v0 =	vld [tilespmem:s24+$0x19700];
	_ =	sdelay $0x2  }
0x4e: {  	v1 =	vld [tilespmem:s24+$0x1B700]  }
.Ltmp1:
0x4f: {  	(pc) =	sbr.rel @p0 .LBB2_4-.Ltmp1, $2  }
0x50: {  	_ =	sdelay $0x2  }
0x51: {  	s24 =	sshra.s32 s23, $0x2;
	s23 =	sadd.s32 $0x40, s23;
	[tilespmem:v0+s2+$0x0] =	vst.idx.msk $0xffff, v1  }
0x52: {  	v0 =	vld [tilespmem:s24+$0x19700];
	_ =	sdelay $0x2  }
0x53: {  	v1 =	vld [tilespmem:s24+$0x1B700];
	_ =	sdelay $0x4  }
0x54: {  	s23 =	rddreg [dreg:$0xa];
	[tilespmem:v0+s2+$0x0] =	vst.idx.msk $0xffff, v1  }
0x55: {  	[tilespmem:s17], [sflag:$0x4] =	stream.strided.gather [hbm4b:s23+s12], $0x1000, s13, s12, $0x38;
	[tilespmem:$0x1C700] =	vst v63  }
0x56: {  	s24 =	rddreg [dreg:$0xb]  }
0x57: {  	[tilespmem:s18], [sflag:$0x4] =	stream.strided.gather [hbm4b:s24+s12], $0x1000, s13, s12, $0x38;
	[tilespmem:$0x1C700] =	vst v63  }
0x58: {  	_ =	swait.ge [sflag:s19], $0x1000  }
0x59: {  	[sflag:s19] =	ssyncset.done $0x0  }
0x5a: {  	[sflag:s19] =	ssyncadd.s32 $0xFFFFF000  }
0x5b: {  	_ =	swait.ge [sflag:s19], $0x1000  }
0x5c: {  	[sflag:s19] =	ssyncset.done $0x0  }
0x5d: {  	s23 =	simm.s32 $0x40;
	s24 =	simm.s32 $0x0;
	[sflag:s19] =	ssyncadd.s32 $0xFFFFF000  }
.LBB2_6:
0x5e: {  	p0 =	sne.s32 s23, $0x3FC0;
	v0 =	vld [tilespmem:s24+$0x18700];
	_ =	sdelay $0x2  }
0x5f: {  	v1 =	vld [tilespmem:s24+$0x1A700]  }
.Ltmp2:
0x60: {  	(pc) =	sbr.rel @p0 .LBB2_6-.Ltmp2, $2  }
0x61: {  	_ =	sdelay $0x2  }
0x62: {  	s24 =	sshra.s32 s23, $0x2;
	s23 =	sadd.s32 $0x40, s23;
	[tilespmem:v0+s2+$0x0] =	vst.idx.msk $0xffff, v1  }
0x63: {  	v0 =	vld [tilespmem:s24+$0x18700];
	_ =	sdelay $0x2  }
0x64: {  	v1 =	vld [tilespmem:s24+$0x1A700];
	_ =	sdelay $0x4  }
0x65: {  	[tilespmem:v0+s2+$0x0] =	vst.idx.msk $0xffff, v1  }
0x66: {  	_ =	swait.ge [sflag:s20], $0x1000  }
0x67: {  	[sflag:s20] =	ssyncset.done $0x0  }
0x68: {  	[sflag:s20] =	ssyncadd.s32 $0xFFFFF000  }
0x69: {  	_ =	swait.ge [sflag:s20], $0x1000  }
0x6a: {  	[sflag:s20] =	ssyncset.done $0x0  }
0x6b: {  	s24 =	simm.s32 $0x0;
	s23 =	simm.s32 $0x40;
	[sflag:s20] =	ssyncadd.s32 $0xFFFFF000  }
.LBB2_8:
0x6c: {  	p0 =	sne.s32 s23, $0x3FC0;
	v0 =	vld [tilespmem:s24+$0x19700];
	_ =	sdelay $0x2  }
0x6d: {  	v1 =	vld [tilespmem:s24+$0x1B700]  }
.Ltmp3:
0x6e: {  	(pc) =	sbr.rel @p0 .LBB2_8-.Ltmp3, $2  }
0x6f: {  	_ =	sdelay $0x2  }
0x70: {  	s24 =	sshra.s32 s23, $0x2;
	s23 =	sadd.s32 $0x40, s23;
	[tilespmem:v0+s2+$0x0] =	vst.idx.msk $0xffff, v1  }
0x71: {  	v0 =	vld [tilespmem:s24+$0x19700];
	_ =	sdelay $0x2  }
0x72: {  	v1 =	vld [tilespmem:s24+$0x1B700];
	_ =	sdelay $0x4  }
0x73: {  	s23 =	simm.s32 $0x0;
	[tilespmem:v0+s2+$0x0] =	vst.idx.msk $0xffff, v1  }
0x74: {  	[hbm4b:s4+s12] =	stream.strided.scatter [tilespmem:s23], [sflag:$0x2], $0x18700, s13, s12, $0x38;
	[tilespmem:$0x1C700] =	vst v63  }
0x75: {  	_ =	swait.ge [sflag:s21], $0x18700  }
0x76: {  	[sflag:s21] =	ssyncset.done $0x0  }
0x77: {  	[sflag:s21] =	ssyncadd.s32 $0xFFFE7900  }
0x78: {  	[tilespmem:s23], [sflag:$0x1] =	stream.strided.gather [hbm4b:s5+s12], $0x18700, s13, s12, $0x38;
	[tilespmem:$0x1C700] =	vst v63  }
0x79: {  	s24 =	rddreg [dreg:$0xc]  }
0x7a: {  	[tilespmem:s14], [sflag:$0x3] =	stream.strided.gather [hbm4b:s24+s12], $0x1000, s13, s12, $0x38;
	[tilespmem:$0x1C700] =	vst v63  }
0x7b: {  	s24 =	rddreg [dreg:$0xd]  }
0x7c: {  	[tilespmem:s15], [sflag:$0x3] =	stream.strided.gather [hbm4b:s24+s12], $0x1000, s13, s12, $0x38;
	[tilespmem:$0x1C700] =	vst v63  }
0x7d: {  	_ =	swait.ge [sflag:s16], $0x18700  }
0x7e: {  	[sflag:s16] =	ssyncset.done $0x0  }
0x7f: {  	s24 =	rddreg [dreg:$0xe];
	[sflag:s16] =	ssyncadd.s32 $0xFFFE7900  }
0x80: {  	[tilespmem:s17], [sflag:$0x4] =	stream.strided.gather [hbm4b:s24+s12], $0x1000, s13, s12, $0x38;
	[tilespmem:$0x1C700] =	vst v63  }
0x81: {  	s24 =	rddreg [dreg:$0xf]  }
0x82: {  	[tilespmem:s18], [sflag:$0x4] =	stream.strided.gather [hbm4b:s24+s12], $0x1000, s13, s12, $0x38;
	[tilespmem:$0x1C700] =	vst v63  }
0x83: {  	_ =	swait.ge [sflag:s19], $0x1000  }
0x84: {  	[sflag:s19] =	ssyncset.done $0x0  }
0x85: {  	[sflag:s19] =	ssyncadd.s32 $0xFFFFF000  }
0x86: {  	_ =	swait.ge [sflag:s19], $0x1000  }
0x87: {  	[sflag:s19] =	ssyncset.done $0x0  }
0x88: {  	s23 =	simm.s32 $0x40;
	s24 =	simm.s32 $0x0;
	[sflag:s19] =	ssyncadd.s32 $0xFFFFF000  }
.LBB2_10:
0x89: {  	p0 =	sne.s32 s23, $0x3FC0;
	v0 =	vld [tilespmem:s24+$0x18700];
	_ =	sdelay $0x2  }
0x8a: {  	v1 =	vld [tilespmem:s24+$0x1A700]  }
.Ltmp4:
0x8b: {  	(pc) =	sbr.rel @p0 .LBB2_10-.Ltmp4, $2  }
0x8c: {  	_ =	sdelay $0x2  }
0x8d: {  	s24 =	sshra.s32 s23, $0x2;
	s23 =	sadd.s32 $0x40, s23;
	[tilespmem:v0+s2+$0x0] =	vst.idx.msk $0xffff, v1  }
0x8e: {  	v0 =	vld [tilespmem:s24+$0x18700];
	_ =	sdelay $0x2  }
0x8f: {  	v1 =	vld [tilespmem:s24+$0x1A700];
	_ =	sdelay $0x4  }
0x90: {  	s23 =	rddreg [dreg:$0x10];
	[tilespmem:v0+s2+$0x0] =	vst.idx.msk $0xffff, v1  }
0x91: {  	[tilespmem:s14], [sflag:$0x3] =	stream.strided.gather [hbm4b:s23+s12], $0x1000, s13, s12, $0x38;
	[tilespmem:$0x1C700] =	vst v63  }
0x92: {  	s24 =	rddreg [dreg:$0x11]  }
0x93: {  	[tilespmem:s15], [sflag:$0x3] =	stream.strided.gather [hbm4b:s24+s12], $0x1000, s13, s12, $0x38;
	[tilespmem:$0x1C700] =	vst v63  }
0x94: {  	_ =	swait.ge [sflag:s20], $0x1000  }
0x95: {  	[sflag:s20] =	ssyncset.done $0x0  }
0x96: {  	[sflag:s20] =	ssyncadd.s32 $0xFFFFF000  }
0x97: {  	_ =	swait.ge [sflag:s20], $0x1000  }
0x98: {  	[sflag:s20] =	ssyncset.done $0x0  }
0x99: {  	s23 =	simm.s32 $0x40;
	s24 =	simm.s32 $0x0;
	[sflag:s20] =	ssyncadd.s32 $0xFFFFF000  }
.LBB2_12:
0x9a: {  	p0 =	sne.s32 s23, $0x3FC0;
	v0 =	vld [tilespmem:s24+$0x19700];
	_ =	sdelay $0x2  }
0x9b: {  	v1 =	vld [tilespmem:s24+$0x1B700]  }
.Ltmp5:
0x9c: {  	(pc) =	sbr.rel @p0 .LBB2_12-.Ltmp5, $2  }
0x9d: {  	_ =	sdelay $0x2  }
0x9e: {  	s24 =	sshra.s32 s23, $0x2;
	s23 =	sadd.s32 $0x40, s23;
	[tilespmem:v0+s2+$0x0] =	vst.idx.msk $0xffff, v1  }
0x9f: {  	v0 =	vld [tilespmem:s24+$0x19700];
	_ =	sdelay $0x2  }
0xa0: {  	v1 =	vld [tilespmem:s24+$0x1B700];
	_ =	sdelay $0x4  }
0xa1: {  	s23 =	rddreg [dreg:$0x12];
	[tilespmem:v0+s2+$0x0] =	vst.idx.msk $0xffff, v1  }
0xa2: {  	[tilespmem:s17], [sflag:$0x4] =	stream.strided.gather [hbm4b:s23+s12], $0x1000, s13, s12, $0x38;
	[tilespmem:$0x1C700] =	vst v63  }
0xa3: {  	s24 =	rddreg [dreg:$0x13]  }
0xa4: {  	[tilespmem:s18], [sflag:$0x4] =	stream.strided.gather [hbm4b:s24+s12], $0x1000, s13, s12, $0x38;
	[tilespmem:$0x1C700] =	vst v63  }
0xa5: {  	_ =	swait.ge [sflag:s19], $0x1000  }
0xa6: {  	[sflag:s19] =	ssyncset.done $0x0  }
0xa7: {  	[sflag:s19] =	ssyncadd.s32 $0xFFFFF000  }
0xa8: {  	_ =	swait.ge [sflag:s19], $0x1000  }
0xa9: {  	[sflag:s19] =	ssyncset.done $0x0  }
0xaa: {  	s23 =	simm.s32 $0x40;
	s24 =	simm.s32 $0x0;
	[sflag:s19] =	ssyncadd.s32 $0xFFFFF000  }
.LBB2_14:
0xab: {  	p0 =	sne.s32 s23, $0x3FC0;
	v0 =	vld [tilespmem:s24+$0x18700];
	_ =	sdelay $0x2  }
0xac: {  	v1 =	vld [tilespmem:s24+$0x1A700]  }
.Ltmp6:
0xad: {  	(pc) =	sbr.rel @p0 .LBB2_14-.Ltmp6, $2  }
0xae: {  	_ =	sdelay $0x2  }
0xaf: {  	s24 =	sshra.s32 s23, $0x2;
	s23 =	sadd.s32 $0x40, s23;
	[tilespmem:v0+s2+$0x0] =	vst.idx.msk $0xffff, v1  }
0xb0: {  	v0 =	vld [tilespmem:s24+$0x18700];
	_ =	sdelay $0x2  }
0xb1: {  	v1 =	vld [tilespmem:s24+$0x1A700];
	_ =	sdelay $0x4  }
0xb2: {  	[tilespmem:v0+s2+$0x0] =	vst.idx.msk $0xffff, v1  }
0xb3: {  	_ =	swait.ge [sflag:s20], $0x1000  }
0xb4: {  	[sflag:s20] =	ssyncset.done $0x0  }
0xb5: {  	[sflag:s20] =	ssyncadd.s32 $0xFFFFF000  }
0xb6: {  	_ =	swait.ge [sflag:s20], $0x1000  }
0xb7: {  	[sflag:s20] =	ssyncset.done $0x0  }
0xb8: {  	s24 =	simm.s32 $0x0;
	s23 =	simm.s32 $0x40;
	[sflag:s20] =	ssyncadd.s32 $0xFFFFF000  }
.LBB2_16:
0xb9: {  	p0 =	sne.s32 s23, $0x3FC0;
	v0 =	vld [tilespmem:s24+$0x19700];
	_ =	sdelay $0x2  }
0xba: {  	v1 =	vld [tilespmem:s24+$0x1B700]  }
.Ltmp7:
0xbb: {  	(pc) =	sbr.rel @p0 .LBB2_16-.Ltmp7, $2  }
0xbc: {  	_ =	sdelay $0x2  }
0xbd: {  	s24 =	sshra.s32 s23, $0x2;
	s23 =	sadd.s32 $0x40, s23;
	[tilespmem:v0+s2+$0x0] =	vst.idx.msk $0xffff, v1  }
0xbe: {  	v0 =	vld [tilespmem:s24+$0x19700];
	_ =	sdelay $0x2  }
0xbf: {  	v1 =	vld [tilespmem:s24+$0x1B700];
	_ =	sdelay $0x4  }
0xc0: {  	s23 =	simm.s32 $0x0;
	[tilespmem:v0+s2+$0x0] =	vst.idx.msk $0xffff, v1  }
0xc1: {  	[hbm4b:s6+s12] =	stream.strided.scatter [tilespmem:s23], [sflag:$0x2], $0x18700, s13, s12, $0x38;
	[tilespmem:$0x1C700] =	vst v63  }
0xc2: {  	_ =	swait.ge [sflag:s21], $0x18700  }
0xc3: {  	[sflag:s21] =	ssyncset.done $0x0  }
0xc4: {  	[sflag:s21] =	ssyncadd.s32 $0xFFFE7900  }
0xc5: {  	[tilespmem:s23], [sflag:$0x1] =	stream.strided.gather [hbm4b:s7+s12], $0x18700, s13, s12, $0x38;
	[tilespmem:$0x1C700] =	vst v63  }
0xc6: {  	s24 =	rddreg [dreg:$0x16]  }
0xc7: {  	[tilespmem:s14], [sflag:$0x3] =	stream.strided.gather [hbm4b:s24+s12], $0x1000, s13, s12, $0x38;
	[tilespmem:$0x1C700] =	vst v63  }
0xc8: {  	s24 =	rddreg [dreg:$0x17]  }
0xc9: {  	[tilespmem:s15], [sflag:$0x3] =	stream.strided.gather [hbm4b:s24+s12], $0x1000, s13, s12, $0x38;
	[tilespmem:$0x1C700] =	vst v63  }
0xca: {  	_ =	swait.ge [sflag:s16], $0x18700  }
0xcb: {  	[sflag:s16] =	ssyncset.done $0x0  }
0xcc: {  	s24 =	rddreg [dreg:$0x14];
	[sflag:s16] =	ssyncadd.s32 $0xFFFE7900  }
0xcd: {  	[tilespmem:s17], [sflag:$0x4] =	stream.strided.gather [hbm4b:s24+s12], $0x1000, s13, s12, $0x38;
	[tilespmem:$0x1C700] =	vst v63  }
0xce: {  	s24 =	rddreg [dreg:$0x15]  }
0xcf: {  	[tilespmem:s18], [sflag:$0x4] =	stream.strided.gather [hbm4b:s24+s12], $0x1000, s13, s12, $0x38;
	[tilespmem:$0x1C700] =	vst v63  }
0xd0: {  	_ =	swait.ge [sflag:s19], $0x1000  }
0xd1: {  	[sflag:s19] =	ssyncset.done $0x0  }
0xd2: {  	[sflag:s19] =	ssyncadd.s32 $0xFFFFF000  }
0xd3: {  	_ =	swait.ge [sflag:s19], $0x1000  }
0xd4: {  	[sflag:s19] =	ssyncset.done $0x0  }
0xd5: {  	s23 =	simm.s32 $0x40;
	s24 =	simm.s32 $0x0;
	[sflag:s19] =	ssyncadd.s32 $0xFFFFF000  }
.LBB2_18:
0xd6: {  	p0 =	sne.s32 s23, $0x3FC0;
	v0 =	vld [tilespmem:s24+$0x18700];
	_ =	sdelay $0x2  }
0xd7: {  	v1 =	vld [tilespmem:s24+$0x1A700]  }
.Ltmp8:
0xd8: {  	(pc) =	sbr.rel @p0 .LBB2_18-.Ltmp8, $2  }
0xd9: {  	_ =	sdelay $0x2  }
0xda: {  	s24 =	sshra.s32 s23, $0x2;
	s23 =	sadd.s32 $0x40, s23;
	[tilespmem:v0+s2+$0x0] =	vst.idx.msk $0xffff, v1  }
0xdb: {  	v0 =	vld [tilespmem:s24+$0x18700];
	_ =	sdelay $0x2  }
0xdc: {  	v1 =	vld [tilespmem:s24+$0x1A700];
	_ =	sdelay $0x4  }
0xdd: {  	s23 =	rddreg [dreg:$0x18];
	[tilespmem:v0+s2+$0x0] =	vst.idx.msk $0xffff, v1  }
0xde: {  	[tilespmem:s14], [sflag:$0x3] =	stream.strided.gather [hbm4b:s23+s12], $0x1000, s13, s12, $0x38;
	[tilespmem:$0x1C700] =	vst v63  }
0xdf: {  	s24 =	rddreg [dreg:$0x19]  }
0xe0: {  	[tilespmem:s15], [sflag:$0x3] =	stream.strided.gather [hbm4b:s24+s12], $0x1000, s13, s12, $0x38;
	[tilespmem:$0x1C700] =	vst v63  }
0xe1: {  	_ =	swait.ge [sflag:s20], $0x1000  }
0xe2: {  	[sflag:s20] =	ssyncset.done $0x0  }
0xe3: {  	[sflag:s20] =	ssyncadd.s32 $0xFFFFF000  }
0xe4: {  	_ =	swait.ge [sflag:s20], $0x1000  }
0xe5: {  	[sflag:s20] =	ssyncset.done $0x0  }
0xe6: {  	s23 =	simm.s32 $0x40;
	s24 =	simm.s32 $0x0;
	[sflag:s20] =	ssyncadd.s32 $0xFFFFF000  }
.LBB2_20:
0xe7: {  	p0 =	sne.s32 s23, $0x3FC0;
	v0 =	vld [tilespmem:s24+$0x19700];
	_ =	sdelay $0x2  }
0xe8: {  	v1 =	vld [tilespmem:s24+$0x1B700]  }
.Ltmp9:
0xe9: {  	(pc) =	sbr.rel @p0 .LBB2_20-.Ltmp9, $2  }
0xea: {  	_ =	sdelay $0x2  }
0xeb: {  	s24 =	sshra.s32 s23, $0x2;
	s23 =	sadd.s32 $0x40, s23;
	[tilespmem:v0+s2+$0x0] =	vst.idx.msk $0xffff, v1  }
0xec: {  	v0 =	vld [tilespmem:s24+$0x19700];
	_ =	sdelay $0x2  }
0xed: {  	v1 =	vld [tilespmem:s24+$0x1B700];
	_ =	sdelay $0x4  }
0xee: {  	s23 =	rddreg [dreg:$0x1a];
	[tilespmem:v0+s2+$0x0] =	vst.idx.msk $0xffff, v1  }
0xef: {  	[tilespmem:s17], [sflag:$0x4] =	stream.strided.gather [hbm4b:s23+s12], $0x1000, s13, s12, $0x38;
	[tilespmem:$0x1C700] =	vst v63  }
0xf0: {  	s24 =	rddreg [dreg:$0x1b]  }
0xf1: {  	[tilespmem:s18], [sflag:$0x4] =	stream.strided.gather [hbm4b:s24+s12], $0x1000, s13, s12, $0x38;
	[tilespmem:$0x1C700] =	vst v63  }
0xf2: {  	_ =	swait.ge [sflag:s19], $0x1000  }
0xf3: {  	[sflag:s19] =	ssyncset.done $0x0  }
0xf4: {  	[sflag:s19] =	ssyncadd.s32 $0xFFFFF000  }
0xf5: {  	_ =	swait.ge [sflag:s19], $0x1000  }
0xf6: {  	[sflag:s19] =	ssyncset.done $0x0  }
0xf7: {  	s23 =	simm.s32 $0x40;
	s24 =	simm.s32 $0x0;
	[sflag:s19] =	ssyncadd.s32 $0xFFFFF000  }
.LBB2_22:
0xf8: {  	p0 =	sne.s32 s23, $0x3FC0;
	v0 =	vld [tilespmem:s24+$0x18700];
	_ =	sdelay $0x2  }
0xf9: {  	v1 =	vld [tilespmem:s24+$0x1A700]  }
.Ltmp10:
0xfa: {  	(pc) =	sbr.rel @p0 .LBB2_22-.Ltmp10, $2  }
0xfb: {  	_ =	sdelay $0x2  }
0xfc: {  	s24 =	sshra.s32 s23, $0x2;
	s23 =	sadd.s32 $0x40, s23;
	[tilespmem:v0+s2+$0x0] =	vst.idx.msk $0xffff, v1  }
0xfd: {  	v0 =	vld [tilespmem:s24+$0x18700];
	_ =	sdelay $0x2  }
0xfe: {  	v1 =	vld [tilespmem:s24+$0x1A700];
	_ =	sdelay $0x4  }
0xff: {  	[tilespmem:v0+s2+$0x0] =	vst.idx.msk $0xffff, v1  }
0x100: {  	_ =	swait.ge [sflag:s20], $0x1000  }
0x101: {  	[sflag:s20] =	ssyncset.done $0x0  }
0x102: {  	[sflag:s20] =	ssyncadd.s32 $0xFFFFF000  }
0x103: {  	_ =	swait.ge [sflag:s20], $0x1000  }
0x104: {  	[sflag:s20] =	ssyncset.done $0x0  }
0x105: {  	s24 =	simm.s32 $0x0;
	s23 =	simm.s32 $0x40;
	[sflag:s20] =	ssyncadd.s32 $0xFFFFF000  }
.LBB2_24:
0x106: {  	p0 =	sne.s32 s23, $0x3FC0;
	v0 =	vld [tilespmem:s24+$0x19700];
	_ =	sdelay $0x2  }
0x107: {  	v1 =	vld [tilespmem:s24+$0x1B700]  }
.Ltmp11:
0x108: {  	(pc) =	sbr.rel @p0 .LBB2_24-.Ltmp11, $2  }
0x109: {  	_ =	sdelay $0x2  }
0x10a: {  	s24 =	sshra.s32 s23, $0x2;
	s23 =	sadd.s32 $0x40, s23;
	[tilespmem:v0+s2+$0x0] =	vst.idx.msk $0xffff, v1  }
0x10b: {  	v0 =	vld [tilespmem:s24+$0x19700];
	_ =	sdelay $0x2  }
0x10c: {  	v1 =	vld [tilespmem:s24+$0x1B700];
	_ =	sdelay $0x4  }
0x10d: {  	s23 =	simm.s32 $0x0;
	[tilespmem:v0+s2+$0x0] =	vst.idx.msk $0xffff, v1  }
0x10e: {  	[hbm4b:s8+s12] =	stream.strided.scatter [tilespmem:s23], [sflag:$0x2], $0x18700, s13, s12, $0x38;
	[tilespmem:$0x1C700] =	vst v63  }
0x10f: {  	_ =	swait.ge [sflag:s21], $0x18700  }
0x110: {  	[sflag:s21] =	ssyncset.done $0x0  }
0x111: {  	[sflag:s21] =	ssyncadd.s32 $0xFFFE7900  }
0x112: {  	[tilespmem:s23], [sflag:$0x1] =	stream.strided.gather [hbm4b:s9+s12], $0x18700, s13, s12, $0x38;
	[tilespmem:$0x1C700] =	vst v63  }
0x113: {  	_ = 	snop  }
0x114: {  	[tilespmem:s14], [sflag:$0x3] =	stream.strided.gather [hbm4b:s30+s12], $0x1000, s13, s12, $0x38;
	[tilespmem:$0x1C700] =	vst v63  }
0x115: {  	_ = 	snop  }
0x116: {  	[tilespmem:s15], [sflag:$0x3] =	stream.strided.gather [hbm4b:s31+s12], $0x1000, s13, s12, $0x38;
	[tilespmem:$0x1C700] =	vst v63  }
0x117: {  	_ =	swait.ge [sflag:s16], $0x18700  }
0x118: {  	[sflag:s16] =	ssyncset.done $0x0  }
0x119: {  	[sflag:s16] =	ssyncadd.s32 $0xFFFE7900  }
0x11a: {  	[tilespmem:s17], [sflag:$0x4] =	stream.strided.gather [hbm4b:s25+s12], $0x1000, s13, s12, $0x38;
	[tilespmem:$0x1C700] =	vst v63  }
0x11b: {  	_ = 	snop  }
0x11c: {  	[tilespmem:s18], [sflag:$0x4] =	stream.strided.gather [hbm4b:s26+s12], $0x1000, s13, s12, $0x38;
	[tilespmem:$0x1C700] =	vst v63  }
0x11d: {  	_ =	swait.ge [sflag:s19], $0x1000  }
0x11e: {  	[sflag:s19] =	ssyncset.done $0x0  }
0x11f: {  	[sflag:s19] =	ssyncadd.s32 $0xFFFFF000  }
0x120: {  	_ =	swait.ge [sflag:s19], $0x1000  }
0x121: {  	[sflag:s19] =	ssyncset.done $0x0  }
0x122: {  	s24 =	simm.s32 $0x0;
	s23 =	simm.s32 $0x40;
	[sflag:s19] =	ssyncadd.s32 $0xFFFFF000  }
.LBB2_26:
0x123: {  	p0 =	sne.s32 s23, $0x3FC0;
	v0 =	vld [tilespmem:s24+$0x18700];
	_ =	sdelay $0x2  }
0x124: {  	v1 =	vld [tilespmem:s24+$0x1A700]  }
.Ltmp12:
0x125: {  	(pc) =	sbr.rel @p0 .LBB2_26-.Ltmp12, $2  }
0x126: {  	_ =	sdelay $0x2  }
0x127: {  	s24 =	sshra.s32 s23, $0x2;
	s23 =	sadd.s32 $0x40, s23;
	[tilespmem:v0+s2+$0x0] =	vst.idx.msk $0xffff, v1  }
0x128: {  	v0 =	vld [tilespmem:s24+$0x18700];
	_ =	sdelay $0x2  }
0x129: {  	v1 =	vld [tilespmem:s24+$0x1A700];
	_ =	sdelay $0x4  }
0x12a: {  	[tilespmem:v0+s2+$0x0] =	vst.idx.msk $0xffff, v1  }
0x12b: {  	[tilespmem:s14], [sflag:$0x3] =	stream.strided.gather [hbm4b:s28+s12], $0x1000, s13, s12, $0x38;
	[tilespmem:$0x1C700] =	vst v63  }
0x12c: {  	_ = 	snop  }
0x12d: {  	[tilespmem:s15], [sflag:$0x3] =	stream.strided.gather [hbm4b:s29+s12], $0x1000, s13, s12, $0x38;
	[tilespmem:$0x1C700] =	vst v63  }
0x12e: {  	_ =	swait.ge [sflag:s20], $0x1000  }
0x12f: {  	[sflag:s20] =	ssyncset.done $0x0  }
0x130: {  	[sflag:s20] =	ssyncadd.s32 $0xFFFFF000  }
0x131: {  	_ =	swait.ge [sflag:s20], $0x1000  }
0x132: {  	[sflag:s20] =	ssyncset.done $0x0  }
0x133: {  	s24 =	simm.s32 $0x0;
	s23 =	simm.s32 $0x40;
	[sflag:s20] =	ssyncadd.s32 $0xFFFFF000  }
.LBB2_28:
0x134: {  	p0 =	sne.s32 s23, $0x3FC0;
	v0 =	vld [tilespmem:s24+$0x19700];
	_ =	sdelay $0x2  }
0x135: {  	v1 =	vld [tilespmem:s24+$0x1B700]  }
.Ltmp13:
0x136: {  	(pc) =	sbr.rel @p0 .LBB2_28-.Ltmp13, $2  }
0x137: {  	_ =	sdelay $0x2  }
0x138: {  	s24 =	sshra.s32 s23, $0x2;
	s23 =	sadd.s32 $0x40, s23;
	[tilespmem:v0+s2+$0x0] =	vst.idx.msk $0xffff, v1  }
0x139: {  	v0 =	vld [tilespmem:s24+$0x19700];
	_ =	sdelay $0x2  }
0x13a: {  	v1 =	vld [tilespmem:s24+$0x1B700];
	_ =	sdelay $0x4  }
0x13b: {  	[tilespmem:v0+s2+$0x0] =	vst.idx.msk $0xffff, v1  }
0x13c: {  	[tilespmem:s17], [sflag:$0x4] =	stream.strided.gather [hbm4b:s0+s12], $0x1000, s13, s12, $0x38;
	[tilespmem:$0x1C700] =	vst v63  }
0x13d: {  	_ = 	snop  }
0x13e: {  	[tilespmem:s18], [sflag:$0x4] =	stream.strided.gather [hbm4b:s1+s12], $0x1000, s13, s12, $0x38;
	[tilespmem:$0x1C700] =	vst v63  }
0x13f: {  	_ =	swait.ge [sflag:s19], $0x1000  }
0x140: {  	[sflag:s19] =	ssyncset.done $0x0  }
0x141: {  	[sflag:s19] =	ssyncadd.s32 $0xFFFFF000  }
0x142: {  	_ =	swait.ge [sflag:s19], $0x1000  }
0x143: {  	[sflag:s19] =	ssyncset.done $0x0  }
0x144: {  	s24 =	simm.s32 $0x0;
	s23 =	simm.s32 $0x40;
	[sflag:s19] =	ssyncadd.s32 $0xFFFFF000  }
.LBB2_30:
0x145: {  	p0 =	sne.s32 s23, $0x3FC0;
	v0 =	vld [tilespmem:s24+$0x18700];
	_ =	sdelay $0x2  }
0x146: {  	v1 =	vld [tilespmem:s24+$0x1A700]  }
.Ltmp14:
0x147: {  	(pc) =	sbr.rel @p0 .LBB2_30-.Ltmp14, $2  }
0x148: {  	_ =	sdelay $0x2  }
0x149: {  	s24 =	sshra.s32 s23, $0x2;
	s23 =	sadd.s32 $0x40, s23;
	[tilespmem:v0+s2+$0x0] =	vst.idx.msk $0xffff, v1  }
0x14a: {  	v0 =	vld [tilespmem:s24+$0x18700];
	_ =	sdelay $0x2  }
0x14b: {  	v1 =	vld [tilespmem:s24+$0x1A700];
	_ =	sdelay $0x4  }
0x14c: {  	[tilespmem:v0+s2+$0x0] =	vst.idx.msk $0xffff, v1  }
0x14d: {  	_ =	swait.ge [sflag:s20], $0x1000  }
0x14e: {  	[sflag:s20] =	ssyncset.done $0x0  }
0x14f: {  	[sflag:s20] =	ssyncadd.s32 $0xFFFFF000  }
0x150: {  	_ =	swait.ge [sflag:s20], $0x1000  }
0x151: {  	[sflag:s20] =	ssyncset.done $0x0  }
0x152: {  	s24 =	simm.s32 $0x0;
	s23 =	simm.s32 $0x40;
	[sflag:s20] =	ssyncadd.s32 $0xFFFFF000  }
.LBB2_32:
0x153: {  	p0 =	sne.s32 s23, $0x3FC0;
	v0 =	vld [tilespmem:s24+$0x19700];
	_ =	sdelay $0x2  }
0x154: {  	v1 =	vld [tilespmem:s24+$0x1B700]  }
.Ltmp15:
0x155: {  	(pc) =	sbr.rel @p0 .LBB2_32-.Ltmp15, $2  }
0x156: {  	_ =	sdelay $0x2  }
0x157: {  	s24 =	sshra.s32 s23, $0x2;
	s23 =	sadd.s32 $0x40, s23;
	[tilespmem:v0+s2+$0x0] =	vst.idx.msk $0xffff, v1  }
0x158: {  	v0 =	vld [tilespmem:s24+$0x19700];
	_ =	sdelay $0x2  }
0x159: {  	v1 =	vld [tilespmem:s24+$0x1B700];
	_ =	sdelay $0x2  }
0x15a: {  	s22 =	sadd.s32 $0x1, s22  }
0x15b: {  	p0 =	sne.s32 s22, s11  }
.Ltmp16:
0x15c: {  	[tilespmem:v0+s2+$0x0] =	vst.idx.msk $0xffff, v1;
	(pc) =	sbr.rel @p0 .LBB2_1-.Ltmp16, $4  }
0x15d: {  	[hbm4b:s10+s12] =	stream.strided.scatter [tilespmem:s2], [sflag:$0x2], $0x18700, s13, s12, $0x38;
	[tilespmem:$0x1C700] =	vst v63  }
0x15e: {  	_ =	swait.ge [sflag:s21], $0x18700  }
0x15f: {  	[sflag:s21] =	ssyncset.done $0x0  }
0x160: {  	[sflag:s21] =	ssyncadd.s32 $0xFFFE7900  }
0x161: {  	_ =	sfence.sel $0x180000  }
0x162: {  	[bflag:$0x0] =	sbarrier.arrive $0xFFFF  }
0x163: {  	_ =	strace $0x90000047  }
0x164: {  	s0 =	stileid.u32;
	[bflag:$0x2] =	sbarrier.arrive $0xFFFF  }
0x165: {  	p0 =	sne.s32 s0, $0x0;
	s0 =	rddreg [dreg:$0x3]  }
0x166: {  	s0 =	sadd.s32 @!p0 $0x100000, s0  }
0x167: {  	[sflag:s0] =	ssyncadd.tile.s32 @!p0 $0x1;
	_ =	shalt  }
.Lfunc_end2:
_tile_overlayer_lowered:
.L_overlay_start_2:
0x168: {  	(tag) =	ssettag $0x2  }
0x169: {  	s0 =	rddreg [dreg:$0x0];
	s2 =	stileid.u32  }
0x16a: {  	s1 =	rddreg [dreg:$0x1];
	p0 =	sne.s32 s2, $0x0  }
0x16b: {  	s3 =	rddreg [dreg:$0x2];
	[bflag:$0x3] =	sbarrier.arrive $0xFFFF;
	s2 =	simm.s32 @!p0 $0x1C05  }
0x16c: {  	[timem:s3], [sflag:s2] =	dma.local @!p0 [hbm:s0], s1  }
0x16d: {  	s0 =	simm.s32 @!p0 $0x5  }
0x16e: {  	_ =	swait.ge @!p0 [sflag:s0], s1  }
0x16f: {  	s1 =	ssub.s32 @!p0 $0x0, s1;
	[sflag:s0] =	ssyncset.done @!p0 $0x0  }
0x170: {  	[sflag:s0] =	ssyncadd.s32 @!p0 s1  }
0x171: {  	[bflag:$0x3] =	sbarrier.arrive $0xFFFF  }
0x172: {  	_ =	shalt  }

</sc_bundles>
